<compile_context>
chip_gen: v7x
topology: tpu7x:2x2x1
jax: 0.10.2.dev20260603
libtpu: 0.0.44.dev20260713+nightly
codegen_flags: <defaults>
</compile_context>

<pallas_src>
import functools

import jax
import jax.numpy as jnp
from jax import lax
from jax.experimental import pallas as pl
from jax.experimental.pallas import tpu as pltpu
from jax.experimental.pallas import tpu_sc as plsc

_BATCH = 4
_SEQ = 8192
_DIM = 1024
_NW = 32
_S_PER_W = _SEQ // _NW
_SB = 4
_NSB = _S_PER_W // _SB
_NIN = 4
_NOUT = 2
_LANES = 16
_UNROLL = 8
_DPL = _DIM // _LANES
_DPL_SHIFT = 6


def _sc_body(x_hbm, pos_hbm, out_hbm, pos_buf, x_buf, y_buf,
             in_sem0, in_sem1, in_sem2, in_sem3, out_sem0, out_sem1):
    wid = lax.axis_index("s") * 2 + lax.axis_index("c")
    base = wid * _S_PER_W
    in_sems = (in_sem0, in_sem1, in_sem2, in_sem3)
    out_sems = (out_sem0, out_sem1)

    def in_copies(ch, slot):
        pos0 = base + ch * _SB
        yield pltpu.make_async_copy(
            pos_hbm.at[pl.ds(pos0, _SB)], pos_buf.at[slot], in_sems[slot])
        yield pltpu.make_async_copy(
            x_hbm.at[:, pl.ds(pos0, _SB)], x_buf.at[slot], in_sems[slot])

    def out_copies(ch, slot):
        pos0 = base + ch * _SB
        yield pltpu.make_async_copy(
            y_buf.at[slot], out_hbm.at[:, pl.ds(pos0, _SB)], out_sems[slot])

    def start_in(ch, slot):
        for c in in_copies(ch, slot):
            c.start()

    def wait_in(ch, slot):
        for c in in_copies(ch, slot):
            c.wait()

    def start_out(ch, slot):
        for c in out_copies(ch, slot):
            c.start()

    def wait_out(ch, slot):
        for c in out_copies(ch, slot):
            c.wait()

    def compute(islot, oslot):
        @plsc.parallel_loop(0, _SB * _DPL, 1, unroll=_UNROLL)
        def _add(v):
            r = lax.shift_right_logical(v, _DPL_SHIFT)
            col = pl.multiple_of(
                lax.shift_left(lax.bitwise_and(v, _DPL - 1), 4), _LANES)
            sl = pl.ds(col, _LANES)
            p = pos_buf[islot, r, sl]
            for b in range(_BATCH):
                y_buf[oslot, b, r, sl] = x_buf[islot, b, r, sl] + p

    def step(i, islot, oslot):
        @pl.when(i + 2 < _NSB)
        def _():
            start_in(i + 2, (islot + 2) % _NIN)

        @pl.when(i >= _NOUT)
        def _():
            wait_out(i - _NOUT, oslot)

        wait_in(i, islot)
        compute(islot, oslot)
        start_out(i, oslot)

    start_in(0, 0)
    start_in(1, 1)

    def quad_loop(ci, carry):
        for u in range(_NIN):
            step(ci * _NIN + u, u, u % _NOUT)
        return carry

    lax.fori_loop(0, _NSB // _NIN, quad_loop, 0)
    wait_out(_NSB - 2, 0)
    wait_out(_NSB - 1, 1)


def kernel(x, pos_table):
    mesh = plsc.VectorSubcoreMesh(core_axis_name="c", subcore_axis_name="s")
    run = functools.partial(
        pl.kernel,
        mesh=mesh,
        out_type=jax.ShapeDtypeStruct((_BATCH, _SEQ, _DIM), jnp.float32),
        scratch_types=[
            pltpu.VMEM((_NIN, _SB, _DIM), jnp.float32),
            pltpu.VMEM((_NIN, _BATCH, _SB, _DIM), jnp.float32),
            pltpu.VMEM((_NOUT, _BATCH, _SB, _DIM), jnp.float32),
            pltpu.SemaphoreType.DMA,
            pltpu.SemaphoreType.DMA,
            pltpu.SemaphoreType.DMA,
            pltpu.SemaphoreType.DMA,
            pltpu.SemaphoreType.DMA,
            pltpu.SemaphoreType.DMA,
        ],
    )(_sc_body)
    return run(x, pos_table)

# --- scband reference (transcript-rebuilt; emitter-appended) ---
"""Pipeline reference for scband-learned-positional-encoding-33672543601251 (READ-ONLY COPY).

The authoritative reference and input builder live on the scoring server;
editing this copy changes nothing except your own understanding.
"""

import jax, jax.numpy as jnp
import numpy as np

MAX_SEQ_LEN = 8192
DIM = 1024
BATCH = 4

def setup_inputs(seed: int = 0) -> dict:
    key = jax.random.key(seed)
    k1, k2 = jax.random.split(key)
    x = jax.random.normal(k1, (BATCH, MAX_SEQ_LEN, DIM), dtype=jnp.float32)
    # learned positional embedding table (nn.Embedding weight)
    pos_table = jax.random.normal(k2, (MAX_SEQ_LEN, DIM), dtype=jnp.float32)
    return {"x": x, "pos_table": pos_table}

def reference(x, pos_table):
    # positions = arange(seq_len) expanded over batch; embedding lookup = row gather
    positions = jnp.arange(MAX_SEQ_LEN, dtype=jnp.int32)
    pos_emb = jnp.take(pos_table, positions, axis=0)  # [S, D]
    # broadcast add over batch, same as x + emb(positions) with expanded positions
    return x + pos_emb[None, :, :]

if __name__ == "__main__":
    import jax
    _d = setup_inputs()
    print(jax.jit(kernel)(*tuple(_d.values())))

</pallas_src>

<mosaic_0001>
#map = affine_map<(d0, d1) -> (0, 0, 0)>
#map1 = affine_map<(d0, d1) -> (0, 0)>
module attributes {stable_mosaic.version = 14 : i64} {
  func.func @_sc_body(%arg0: i32, %arg1: i32, %arg2: memref<4x8192x1024xf32, #tpu.memory_space<hbm>>, %arg3: memref<8192x1024xf32, #tpu.memory_space<hbm>>, %arg4: memref<4x8192x1024xf32, #tpu.memory_space<hbm>>, %arg5: memref<4x4x1024xf32, #tpu.memory_space<vmem>>, %arg6: memref<4x4x4x1024xf32, #tpu.memory_space<vmem>>, %arg7: memref<2x4x4x1024xf32, #tpu.memory_space<vmem>>, %arg8: memref<!tpu.dma_semaphore, #tpu.memory_space<semaphore_mem>>, %arg9: memref<!tpu.dma_semaphore, #tpu.memory_space<semaphore_mem>>, %arg10: memref<!tpu.dma_semaphore, #tpu.memory_space<semaphore_mem>>, %arg11: memref<!tpu.dma_semaphore, #tpu.memory_space<semaphore_mem>>, %arg12: memref<!tpu.dma_semaphore, #tpu.memory_space<semaphore_mem>>, %arg13: memref<!tpu.dma_semaphore, #tpu.memory_space<semaphore_mem>>) attributes {dimension_semantics = [#tpu.dimension_semantics<core_parallel>, #tpu.dimension_semantics<subcore_parallel>], iteration_bounds = array<i64: 2, 16>, scalar_prefetch = 0 : i64, scratch_operands = 9 : i64, tpu.core_type = #tpu.core_type<sc_vector_subcore>, window_params = [{transform_indices = #map}, {transform_indices = #map1}, {transform_indices = #map}]} {
    %mul3A = arith.constant 2 : i32
    %mul3A_0 = arith.muli %arg1, %mul3A : i32
    %add3A = arith.addi %mul3A_0, %arg0 : i32
    %mul3A_1 = arith.constant 256 : i32
    %mul3A_2 = arith.muli %add3A, %mul3A_1 : i32
    %add3A_3 = arith.constant 0 : i32
    %add3A_4 = arith.addi %mul3A_2, %add3A_3 : i32
    %dma_start3A = arith.constant 0 : i32
    %dma_start3A_5 = arith.constant 0 : i32
    %dma_start3A_6 = arith.constant 0 : i32
    %dma_start3A_7 = tpu.memref_slice %arg5[%dma_start3A, %dma_start3A_5, %dma_start3A_6] : memref<4x4x1024xf32, #tpu.memory_space<vmem>> -> memref<1x4x1024xf32, #tpu.memory_space<vmem>>
    %dma_start3A_8 = tpu.memref_squeeze %dma_start3A_7 : memref<1x4x1024xf32, #tpu.memory_space<vmem>> -> memref<4x1024xf32, #tpu.memory_space<vmem>>
    %dma_start3A_9 = arith.constant 0 : i32
    %dma_start3A_10 = tpu.memref_slice %arg3[%add3A_4, %dma_start3A_9] : memref<8192x1024xf32, #tpu.memory_space<hbm>> -> memref<4x1024xf32, #tpu.memory_space<hbm>>
    %dma_start3A_11 = arith.constant 0 : i32
    %dma_start3A_12 = arith.constant 0 : i32
    %dma_start3A_13 = tpu.memref_slice %arg5[%dma_start3A, %dma_start3A_11, %dma_start3A_12] : memref<4x4x1024xf32, #tpu.memory_space<vmem>> -> memref<1x4x1024xf32, #tpu.memory_space<vmem>>
    %dma_start3A_14 = tpu.memref_squeeze %dma_start3A_13 : memref<1x4x1024xf32, #tpu.memory_space<vmem>> -> memref<4x1024xf32, #tpu.memory_space<vmem>>
    %dma_start3A_15 = arith.constant 0 : i32
    %dma_start3A_16 = tpu.memref_slice %arg3[%add3A_4, %dma_start3A_15] : memref<8192x1024xf32, #tpu.memory_space<hbm>> -> memref<4x1024xf32, #tpu.memory_space<hbm>>
    tpu.enqueue_dma source(%dma_start3A_16 : memref<4x1024xf32, #tpu.memory_space<hbm>>) target(%dma_start3A_14 : memref<4x1024xf32, #tpu.memory_space<vmem>>) target_semaphore(%arg8 : memref<!tpu.dma_semaphore, #tpu.memory_space<semaphore_mem>>)
    %dma_start3A_17 = arith.constant 0 : i32
    %dma_start3A_18 = arith.constant 0 : i32
    %dma_start3A_19 = arith.constant 0 : i32
    %dma_start3A_20 = arith.constant 0 : i32
    %dma_start3A_21 = tpu.memref_slice %arg6[%dma_start3A_17, %dma_start3A_18, %dma_start3A_19, %dma_start3A_20] : memref<4x4x4x1024xf32, #tpu.memory_space<vmem>> -> memref<1x4x4x1024xf32, #tpu.memory_space<vmem>>
    %dma_start3A_22 = tpu.memref_squeeze %dma_start3A_21 : memref<1x4x4x1024xf32, #tpu.memory_space<vmem>> -> memref<4x4x1024xf32, #tpu.memory_space<vmem>>
    %dma_start3A_23 = arith.constant 0 : i32
    %dma_start3A_24 = arith.constant 0 : i32
    %dma_start3A_25 = tpu.memref_slice %arg2[%dma_start3A_23, %add3A_4, %dma_start3A_24] : memref<4x8192x1024xf32, #tpu.memory_space<hbm>> -> memref<4x4x1024xf32, #tpu.memory_space<hbm>>
    %dma_start3A_26 = arith.constant 0 : i32
    %dma_start3A_27 = arith.constant 0 : i32
    %dma_start3A_28 = arith.constant 0 : i32
    %dma_start3A_29 = tpu.memref_slice %arg6[%dma_start3A_17, %dma_start3A_26, %dma_start3A_27, %dma_start3A_28] : memref<4x4x4x1024xf32, #tpu.memory_space<vmem>> -> memref<1x4x4x1024xf32, #tpu.memory_space<vmem>>
    %dma_start3A_30 = tpu.memref_squeeze %dma_start3A_29 : memref<1x4x4x1024xf32, #tpu.memory_space<vmem>> -> memref<4x4x1024xf32, #tpu.memory_space<vmem>>
    %dma_start3A_31 = arith.constant 0 : i32
    %dma_start3A_32 = arith.constant 0 : i32
    %dma_start3A_33 = tpu.memref_slice %arg2[%dma_start3A_31, %add3A_4, %dma_start3A_32] : memref<4x8192x1024xf32, #tpu.memory_space<hbm>> -> memref<4x4x1024xf32, #tpu.memory_space<hbm>>
    tpu.enqueue_dma source(%dma_start3A_33 : memref<4x4x1024xf32, #tpu.memory_space<hbm>>) target(%dma_start3A_30 : memref<4x4x1024xf32, #tpu.memory_space<vmem>>) target_semaphore(%arg8 : memref<!tpu.dma_semaphore, #tpu.memory_space<semaphore_mem>>)
    %add3A_34 = arith.constant 4 : i32
    %add3A_35 = arith.addi %mul3A_2, %add3A_34 : i32
    %dma_start3A_36 = arith.constant 1 : i32
    %dma_start3A_37 = arith.constant 0 : i32
    %dma_start3A_38 = arith.constant 0 : i32
    %dma_start3A_39 = tpu.memref_slice %arg5[%dma_start3A_36, %dma_start3A_37, %dma_start3A_38] : memref<4x4x1024xf32, #tpu.memory_space<vmem>> -> memref<1x4x1024xf32, #tpu.memory_space<vmem>>
    %dma_start3A_40 = tpu.memref_squeeze %dma_start3A_39 : memref<1x4x1024xf32, #tpu.memory_space<vmem>> -> memref<4x1024xf32, #tpu.memory_space<vmem>>
    %dma_start3A_41 = arith.constant 0 : i32
    %dma_start3A_42 = tpu.memref_slice %arg3[%add3A_35, %dma_start3A_41] : memref<8192x1024xf32, #tpu.memory_space<hbm>> -> memref<4x1024xf32, #tpu.memory_space<hbm>>
    %dma_start3A_43 = arith.constant 0 : i32
    %dma_start3A_44 = arith.constant 0 : i32
    %dma_start3A_45 = tpu.memref_slice %arg5[%dma_start3A_36, %dma_start3A_43, %dma_start3A_44] : memref<4x4x1024xf32, #tpu.memory_space<vmem>> -> memref<1x4x1024xf32, #tpu.memory_space<vmem>>
    %dma_start3A_46 = tpu.memref_squeeze %dma_start3A_45 : memref<1x4x1024xf32, #tpu.memory_space<vmem>> -> memref<4x1024xf32, #tpu.memory_space<vmem>>
    %dma_start3A_47 = arith.constant 0 : i32
    %dma_start3A_48 = tpu.memref_slice %arg3[%add3A_35, %dma_start3A_47] : memref<8192x1024xf32, #tpu.memory_space<hbm>> -> memref<4x1024xf32, #tpu.memory_space<hbm>>
    tpu.enqueue_dma source(%dma_start3A_48 : memref<4x1024xf32, #tpu.memory_space<hbm>>) target(%dma_start3A_46 : memref<4x1024xf32, #tpu.memory_space<vmem>>) target_semaphore(%arg9 : memref<!tpu.dma_semaphore, #tpu.memory_space<semaphore_mem>>)
    %dma_start3A_49 = arith.constant 1 : i32
    %dma_start3A_50 = arith.constant 0 : i32
    %dma_start3A_51 = arith.constant 0 : i32
    %dma_start3A_52 = arith.constant 0 : i32
    %dma_start3A_53 = tpu.memref_slice %arg6[%dma_start3A_49, %dma_start3A_50, %dma_start3A_51, %dma_start3A_52] : memref<4x4x4x1024xf32, #tpu.memory_space<vmem>> -> memref<1x4x4x1024xf32, #tpu.memory_space<vmem>>
    %dma_start3A_54 = tpu.memref_squeeze %dma_start3A_53 : memref<1x4x4x1024xf32, #tpu.memory_space<vmem>> -> memref<4x4x1024xf32, #tpu.memory_space<vmem>>
    %dma_start3A_55 = arith.constant 0 : i32
    %dma_start3A_56 = arith.constant 0 : i32
    %dma_start3A_57 = tpu.memref_slice %arg2[%dma_start3A_55, %add3A_35, %dma_start3A_56] : memref<4x8192x1024xf32, #tpu.memory_space<hbm>> -> memref<4x4x1024xf32, #tpu.memory_space<hbm>>
    %dma_start3A_58 = arith.constant 0 : i32
    %dma_start3A_59 = arith.constant 0 : i32
    %dma_start3A_60 = arith.constant 0 : i32
    %dma_start3A_61 = tpu.memref_slice %arg6[%dma_start3A_49, %dma_start3A_58, %dma_start3A_59, %dma_start3A_60] : memref<4x4x4x1024xf32, #tpu.memory_space<vmem>> -> memref<1x4x4x1024xf32, #tpu.memory_space<vmem>>
    %dma_start3A_62 = tpu.memref_squeeze %dma_start3A_61 : memref<1x4x4x1024xf32, #tpu.memory_space<vmem>> -> memref<4x4x1024xf32, #tpu.memory_space<vmem>>
    %dma_start3A_63 = arith.constant 0 : i32
    %dma_start3A_64 = arith.constant 0 : i32
    %dma_start3A_65 = tpu.memref_slice %arg2[%dma_start3A_63, %add3A_35, %dma_start3A_64] : memref<4x8192x1024xf32, #tpu.memory_space<hbm>> -> memref<4x4x1024xf32, #tpu.memory_space<hbm>>
    tpu.enqueue_dma source(%dma_start3A_65 : memref<4x4x1024xf32, #tpu.memory_space<hbm>>) target(%dma_start3A_62 : memref<4x4x1024xf32, #tpu.memory_space<vmem>>) target_semaphore(%arg9 : memref<!tpu.dma_semaphore, #tpu.memory_space<semaphore_mem>>)
    %scan3A = arith.constant 0 : i32
    %scan3A_66 = arith.constant 0 : i32
    %scan3A_67 = arith.constant 16 : i32
    %scan3A_68 = arith.addi %scan3A_66, %scan3A_67 : i32
    %scan3A_69 = arith.constant 1 : i32
    scf.for %scan3A_108 = %scan3A_66 to %scan3A_68 step %scan3A_69  : i32 {
      %mul3A_109 = arith.constant 4 : i32
      %mul3A_110 = arith.muli %scan3A_108, %mul3A_109 : i32
      %add3A_111 = arith.constant 0 : i32
      %add3A_112 = arith.addi %mul3A_110, %add3A_111 : i32
      %add3A_113 = arith.constant 2 : i32
      %add3A_114 = arith.addi %add3A_112, %add3A_113 : i32
      %lt3A = arith.constant 64 : i32
      %lt3A_115 = arith.cmpi slt, %add3A_114, %lt3A : i32
      %convert_element_type3A = arith.extui %lt3A_115 : i1 to i32
      %cond3A = arith.constant 0 : i32
      %cond3A_116 = arith.cmpi ne, %convert_element_type3A, %cond3A : i32
      scf.if %cond3A_116 {
        %add3A_392 = arith.constant 2 : i32
        %add3A_393 = arith.addi %add3A_112, %add3A_392 : i32
        %mul3A_394 = arith.constant 4 : i32
        %mul3A_395 = arith.muli %add3A_393, %mul3A_394 : i32
        %add3A_396 = arith.addi %mul3A_2, %mul3A_395 : i32
        %dma_start3A_397 = arith.constant 2 : i32
        %dma_start3A_398 = arith.constant 0 : i32
        %dma_start3A_399 = arith.constant 0 : i32
        %dma_start3A_400 = tpu.memref_slice %arg5[%dma_start3A_397, %dma_start3A_398, %dma_start3A_399] : memref<4x4x1024xf32, #tpu.memory_space<vmem>> -> memref<1x4x1024xf32, #tpu.memory_space<vmem>>
        %dma_start3A_401 = tpu.memref_squeeze %dma_start3A_400 : memref<1x4x1024xf32, #tpu.memory_space<vmem>> -> memref<4x1024xf32, #tpu.memory_space<vmem>>
        %dma_start3A_402 = arith.constant 0 : i32
        %dma_start3A_403 = tpu.memref_slice %arg3[%add3A_396, %dma_start3A_402] : memref<8192x1024xf32, #tpu.memory_space<hbm>> -> memref<4x1024xf32, #tpu.memory_space<hbm>>
        %dma_start3A_404 = arith.constant 0 : i32
        %dma_start3A_405 = arith.constant 0 : i32
        %dma_start3A_406 = tpu.memref_slice %arg5[%dma_start3A_397, %dma_start3A_404, %dma_start3A_405] : memref<4x4x1024xf32, #tpu.memory_space<vmem>> -> memref<1x4x1024xf32, #tpu.memory_space<vmem>>
        %dma_start3A_407 = tpu.memref_squeeze %dma_start3A_406 : memref<1x4x1024xf32, #tpu.memory_space<vmem>> -> memref<4x1024xf32, #tpu.memory_space<vmem>>
        %dma_start3A_408 = arith.constant 0 : i32
        %dma_start3A_409 = tpu.memref_slice %arg3[%add3A_396, %dma_start3A_408] : memref<8192x1024xf32, #tpu.memory_space<hbm>> -> memref<4x1024xf32, #tpu.memory_space<hbm>>
        tpu.enqueue_dma source(%dma_start3A_409 : memref<4x1024xf32, #tpu.memory_space<hbm>>) target(%dma_start3A_407 : memref<4x1024xf32, #tpu.memory_space<vmem>>) target_semaphore(%arg10 : memref<!tpu.dma_semaphore, #tpu.memory_space<semaphore_mem>>)
        %dma_start3A_410 = arith.constant 2 : i32
        %dma_start3A_411 = arith.constant 0 : i32
        %dma_start3A_412 = arith.constant 0 : i32
        %dma_start3A_413 = arith.constant 0 : i32
        %dma_start3A_414 = tpu.memref_slice %arg6[%dma_start3A_410, %dma_start3A_411, %dma_start3A_412, %dma_start3A_413] : memref<4x4x4x1024xf32, #tpu.memory_space<vmem>> -> memref<1x4x4x1024xf32, #tpu.memory_space<vmem>>
        %dma_start3A_415 = tpu.memref_squeeze %dma_start3A_414 : memref<1x4x4x1024xf32, #tpu.memory_space<vmem>> -> memref<4x4x1024xf32, #tpu.memory_space<vmem>>
        %dma_start3A_416 = arith.constant 0 : i32
        %dma_start3A_417 = arith.constant 0 : i32
        %dma_start3A_418 = tpu.memref_slice %arg2[%dma_start3A_416, %add3A_396, %dma_start3A_417] : memref<4x8192x1024xf32, #tpu.memory_space<hbm>> -> memref<4x4x1024xf32, #tpu.memory_space<hbm>>
        %dma_start3A_419 = arith.constant 0 : i32
        %dma_start3A_420 = arith.constant 0 : i32
        %dma_start3A_421 = arith.constant 0 : i32
        %dma_start3A_422 = tpu.memref_slice %arg6[%dma_start3A_410, %dma_start3A_419, %dma_start3A_420, %dma_start3A_421] : memref<4x4x4x1024xf32, #tpu.memory_space<vmem>> -> memref<1x4x4x1024xf32, #tpu.memory_space<vmem>>
        %dma_start3A_423 = tpu.memref_squeeze %dma_start3A_422 : memref<1x4x4x1024xf32, #tpu.memory_space<vmem>> -> memref<4x4x1024xf32, #tpu.memory_space<vmem>>
        %dma_start3A_424 = arith.constant 0 : i32
        %dma_start3A_425 = arith.constant 0 : i32
        %dma_start3A_426 = tpu.memref_slice %arg2[%dma_start3A_424, %add3A_396, %dma_start3A_425] : memref<4x8192x1024xf32, #tpu.memory_space<hbm>> -> memref<4x4x1024xf32, #tpu.memory_space<hbm>>
        tpu.enqueue_dma source(%dma_start3A_426 : memref<4x4x1024xf32, #tpu.memory_space<hbm>>) target(%dma_start3A_423 : memref<4x4x1024xf32, #tpu.memory_space<vmem>>) target_semaphore(%arg10 : memref<!tpu.dma_semaphore, #tpu.memory_space<semaphore_mem>>)
      } else {
      }
      %ge3A = arith.constant 2 : i32
      %ge3A_117 = arith.cmpi sge, %add3A_112, %ge3A : i32
      %convert_element_type3A_118 = arith.extui %ge3A_117 : i1 to i32
      %cond3A_119 = arith.constant 0 : i32
      %cond3A_120 = arith.cmpi ne, %convert_element_type3A_118, %cond3A_119 : i32
      scf.if %cond3A_120 {
        %sub3A = arith.constant 2 : i32
        %sub3A_392 = arith.subi %add3A_112, %sub3A : i32
        %mul3A_393 = arith.constant 4 : i32
        %mul3A_394 = arith.muli %sub3A_392, %mul3A_393 : i32
        %add3A_395 = arith.addi %mul3A_2, %mul3A_394 : i32
        %dma_wait3A_396 = arith.constant 0 : i32
        %dma_wait3A_397 = arith.constant 0 : i32
        %dma_wait3A_398 = arith.constant 0 : i32
        %dma_wait3A_399 = arith.constant 0 : i32
        %dma_wait3A_400 = tpu.memref_slice %arg7[%dma_wait3A_396, %dma_wait3A_397, %dma_wait3A_398, %dma_wait3A_399] : memref<2x4x4x1024xf32, #tpu.memory_space<vmem>> -> memref<1x4x4x1024xf32, #tpu.memory_space<vmem>>
        %dma_wait3A_401 = tpu.memref_squeeze %dma_wait3A_400 : memref<1x4x4x1024xf32, #tpu.memory_space<vmem>> -> memref<4x4x1024xf32, #tpu.memory_space<vmem>>
        %dma_wait3A_402 = arith.constant 0 : i32
        %dma_wait3A_403 = arith.constant 0 : i32
        %dma_wait3A_404 = tpu.memref_slice %arg4[%dma_wait3A_402, %add3A_395, %dma_wait3A_403] : memref<4x8192x1024xf32, #tpu.memory_space<hbm>> -> memref<4x4x1024xf32, #tpu.memory_space<hbm>>
        %dma_wait3A_405 = arith.constant 0 : i32
        %dma_wait3A_406 = arith.constant 0 : i32
        %dma_wait3A_407 = tpu.memref_slice %arg4[%dma_wait3A_405, %add3A_395, %dma_wait3A_406] : memref<4x8192x1024xf32, #tpu.memory_space<hbm>> -> memref<4x4x1024xf32, #tpu.memory_space<hbm>>
        %dma_wait3A_408 = arith.constant 0 : i32
        %dma_wait3A_409 = arith.constant 0 : i32
        %dma_wait3A_410 = arith.constant 0 : i32
        %dma_wait3A_411 = tpu.memref_slice %arg7[%dma_wait3A_396, %dma_wait3A_408, %dma_wait3A_409, %dma_wait3A_410] : memref<2x4x4x1024xf32, #tpu.memory_space<vmem>> -> memref<1x4x4x1024xf32, #tpu.memory_space<vmem>>
        %dma_wait3A_412 = tpu.memref_squeeze %dma_wait3A_411 : memref<1x4x4x1024xf32, #tpu.memory_space<vmem>> -> memref<4x4x1024xf32, #tpu.memory_space<vmem>>
        tpu.wait_dma2 semaphore(%arg12 : memref<!tpu.dma_semaphore, #tpu.memory_space<semaphore_mem>>) src(%dma_wait3A_412 : memref<4x4x1024xf32, #tpu.memory_space<vmem>>) dst(%dma_wait3A_407 : memref<4x4x1024xf32, #tpu.memory_space<hbm>>)
      } else {
      }
      %mul3A_121 = arith.constant 4 : i32
      %mul3A_122 = arith.muli %add3A_112, %mul3A_121 : i32
      %add3A_123 = arith.addi %mul3A_2, %mul3A_122 : i32
      %dma_wait3A_124 = arith.constant 0 : i32
      %dma_wait3A_125 = arith.constant 0 : i32
      %dma_wait3A_126 = arith.constant 0 : i32
      %dma_wait3A_127 = tpu.memref_slice %arg5[%dma_wait3A_124, %dma_wait3A_125, %dma_wait3A_126] : memref<4x4x1024xf32, #tpu.memory_space<vmem>> -> memref<1x4x1024xf32, #tpu.memory_space<vmem>>
      %dma_wait3A_128 = tpu.memref_squeeze %dma_wait3A_127 : memref<1x4x1024xf32, #tpu.memory_space<vmem>> -> memref<4x1024xf32, #tpu.memory_space<vmem>>
      %dma_wait3A_129 = arith.constant 0 : i32
      %dma_wait3A_130 = tpu.memref_slice %arg3[%add3A_123, %dma_wait3A_129] : memref<8192x1024xf32, #tpu.memory_space<hbm>> -> memref<4x1024xf32, #tpu.memory_space<hbm>>
      %dma_wait3A_131 = arith.constant 0 : i32
      %dma_wait3A_132 = arith.constant 0 : i32
      %dma_wait3A_133 = tpu.memref_slice %arg5[%dma_wait3A_124, %dma_wait3A_131, %dma_wait3A_132] : memref<4x4x1024xf32, #tpu.memory_space<vmem>> -> memref<1x4x1024xf32, #tpu.memory_space<vmem>>
      %dma_wait3A_134 = tpu.memref_squeeze %dma_wait3A_133 : memref<1x4x1024xf32, #tpu.memory_space<vmem>> -> memref<4x1024xf32, #tpu.memory_space<vmem>>
      %dma_wait3A_135 = arith.constant 0 : i32
      %dma_wait3A_136 = tpu.memref_slice %arg3[%add3A_123, %dma_wait3A_135] : memref<8192x1024xf32, #tpu.memory_space<hbm>> -> memref<4x1024xf32, #tpu.memory_space<hbm>>
      tpu.wait_dma2 semaphore(%arg8 : memref<!tpu.dma_semaphore, #tpu.memory_space<semaphore_mem>>) src(%dma_wait3A_136 : memref<4x1024xf32, #tpu.memory_space<hbm>>) dst(%dma_wait3A_134 : memref<4x1024xf32, #tpu.memory_space<vmem>>)
      %dma_wait3A_137 = arith.constant 0 : i32
      %dma_wait3A_138 = arith.constant 0 : i32
      %dma_wait3A_139 = arith.constant 0 : i32
      %dma_wait3A_140 = arith.constant 0 : i32
      %dma_wait3A_141 = tpu.memref_slice %arg6[%dma_wait3A_137, %dma_wait3A_138, %dma_wait3A_139, %dma_wait3A_140] : memref<4x4x4x1024xf32, #tpu.memory_space<vmem>> -> memref<1x4x4x1024xf32, #tpu.memory_space<vmem>>
      %dma_wait3A_142 = tpu.memref_squeeze %dma_wait3A_141 : memref<1x4x4x1024xf32, #tpu.memory_space<vmem>> -> memref<4x4x1024xf32, #tpu.memory_space<vmem>>
      %dma_wait3A_143 = arith.constant 0 : i32
      %dma_wait3A_144 = arith.constant 0 : i32
      %dma_wait3A_145 = tpu.memref_slice %arg2[%dma_wait3A_143, %add3A_123, %dma_wait3A_144] : memref<4x8192x1024xf32, #tpu.memory_space<hbm>> -> memref<4x4x1024xf32, #tpu.memory_space<hbm>>
      %dma_wait3A_146 = arith.constant 0 : i32
      %dma_wait3A_147 = arith.constant 0 : i32
      %dma_wait3A_148 = arith.constant 0 : i32
      %dma_wait3A_149 = tpu.memref_slice %arg6[%dma_wait3A_137, %dma_wait3A_146, %dma_wait3A_147, %dma_wait3A_148] : memref<4x4x4x1024xf32, #tpu.memory_space<vmem>> -> memref<1x4x4x1024xf32, #tpu.memory_space<vmem>>
      %dma_wait3A_150 = tpu.memref_squeeze %dma_wait3A_149 : memref<1x4x4x1024xf32, #tpu.memory_space<vmem>> -> memref<4x4x1024xf32, #tpu.memory_space<vmem>>
      %dma_wait3A_151 = arith.constant 0 : i32
      %dma_wait3A_152 = arith.constant 0 : i32
      %dma_wait3A_153 = tpu.memref_slice %arg2[%dma_wait3A_151, %add3A_123, %dma_wait3A_152] : memref<4x8192x1024xf32, #tpu.memory_space<hbm>> -> memref<4x4x1024xf32, #tpu.memory_space<hbm>>
      tpu.wait_dma2 semaphore(%arg8 : memref<!tpu.dma_semaphore, #tpu.memory_space<semaphore_mem>>) src(%dma_wait3A_153 : memref<4x4x1024xf32, #tpu.memory_space<hbm>>) dst(%dma_wait3A_150 : memref<4x4x1024xf32, #tpu.memory_space<vmem>>)
      %parallel_loop3A = arith.constant 0 : i32
      %parallel_loop3A_154 = arith.constant 256 : i32
      %parallel_loop3A_155 = arith.constant 1 : i32
      scf.for %parallel_loop3A_392 = %parallel_loop3A to %parallel_loop3A_154 step %parallel_loop3A_155  : i32 {
        %parallel_loop3A_393 = arith.constant 6 : i32
        %parallel_loop3A_394 = arith.shrui %parallel_loop3A_392, %parallel_loop3A_393 : i32
        %parallel_loop3A_395 = arith.constant 63 : i32
        %parallel_loop3A_396 = arith.andi %parallel_loop3A_392, %parallel_loop3A_395 : i32
        %parallel_loop3A_397 = arith.constant 4 : i32
        %parallel_loop3A_398 = arith.shli %parallel_loop3A_396, %parallel_loop3A_397 : i32
        %parallel_loop3A_399 = tpu.assume_multiple %parallel_loop3A_398, 16 : i32
        %parallel_loop3A_400 = arith.constant 0 : i32
        %parallel_loop3A_401 = arith.index_cast %parallel_loop3A_400 : i32 to index
        %parallel_loop3A_402 = arith.index_cast %parallel_loop3A_394 : i32 to index
        %parallel_loop3A_403 = arith.index_cast %parallel_loop3A_399 : i32 to index
        %parallel_loop3A_404 = tpu.vector_load %arg5[%parallel_loop3A_401, %parallel_loop3A_402, %parallel_loop3A_403] {strides = array<i32>} : memref<4x4x1024xf32, #tpu.memory_space<vmem>>, vector<1x1x16xf32>,
        %parallel_loop3A_405 = vector.shape_cast %parallel_loop3A_404 : vector<1x1x16xf32> to vector<16xf32>
        %parallel_loop3A_406 = arith.constant 0 : i32
        %parallel_loop3A_407 = arith.constant 0 : i32
        %parallel_loop3A_408 = arith.index_cast %parallel_loop3A_406 : i32 to index
        %parallel_loop3A_409 = arith.index_cast %parallel_loop3A_407 : i32 to index
        %parallel_loop3A_410 = arith.index_cast %parallel_loop3A_394 : i32 to index
        %parallel_loop3A_411 = arith.index_cast %parallel_loop3A_399 : i32 to index
        %parallel_loop3A_412 = tpu.vector_load %arg6[%parallel_loop3A_408, %parallel_loop3A_409, %parallel_loop3A_410, %parallel_loop3A_411] {strides = array<i32>} : memref<4x4x4x1024xf32, #tpu.memory_space<vmem>>, vector<1x1x1x16xf32>,
        %parallel_loop3A_413 = vector.shape_cast %parallel_loop3A_412 : vector<1x1x1x16xf32> to vector<16xf32>
        %parallel_loop3A_414 = arith.addf %parallel_loop3A_413, %parallel_loop3A_405 : vector<16xf32>
        %parallel_loop3A_415 = arith.constant 0 : i32
        %parallel_loop3A_416 = arith.constant 0 : i32
        %parallel_loop3A_417 = arith.index_cast %parallel_loop3A_415 : i32 to index
        %parallel_loop3A_418 = arith.index_cast %parallel_loop3A_416 : i32 to index
        %parallel_loop3A_419 = arith.index_cast %parallel_loop3A_394 : i32 to index
        %parallel_loop3A_420 = arith.index_cast %parallel_loop3A_399 : i32 to index
        %parallel_loop3A_421 = tpu.vector_load %arg7[%parallel_loop3A_417, %parallel_loop3A_418, %parallel_loop3A_419, %parallel_loop3A_420] {strides = array<i32>} : memref<2x4x4x1024xf32, #tpu.memory_space<vmem>>, vector<1x1x1x16xf32>,
        %parallel_loop3A_422 = vector.shape_cast %parallel_loop3A_421 : vector<1x1x1x16xf32> to vector<16xf32>
        %parallel_loop3A_423 = vector.shape_cast %parallel_loop3A_414 : vector<16xf32> to vector<1x1x1x16xf32>
        tpu.vector_store %arg7[%parallel_loop3A_417, %parallel_loop3A_418, %parallel_loop3A_419, %parallel_loop3A_420], %parallel_loop3A_423 {strides = array<i32>} : memref<2x4x4x1024xf32, #tpu.memory_space<vmem>>, vector<1x1x1x16xf32>,
        %parallel_loop3A_424 = arith.constant 0 : i32
        %parallel_loop3A_425 = arith.constant 1 : i32
        %parallel_loop3A_426 = arith.index_cast %parallel_loop3A_424 : i32 to index
        %parallel_loop3A_427 = arith.index_cast %parallel_loop3A_425 : i32 to index
        %parallel_loop3A_428 = arith.index_cast %parallel_loop3A_394 : i32 to index
        %parallel_loop3A_429 = arith.index_cast %parallel_loop3A_399 : i32 to index
        %parallel_loop3A_430 = tpu.vector_load %arg6[%parallel_loop3A_426, %parallel_loop3A_427, %parallel_loop3A_428, %parallel_loop3A_429] {strides = array<i32>} : memref<4x4x4x1024xf32, #tpu.memory_space<vmem>>, vector<1x1x1x16xf32>,
        %parallel_loop3A_431 = vector.shape_cast %parallel_loop3A_430 : vector<1x1x1x16xf32> to vector<16xf32>
        %parallel_loop3A_432 = arith.addf %parallel_loop3A_431, %parallel_loop3A_405 : vector<16xf32>
        %parallel_loop3A_433 = arith.constant 0 : i32
        %parallel_loop3A_434 = arith.constant 1 : i32
        %parallel_loop3A_435 = arith.index_cast %parallel_loop3A_433 : i32 to index
        %parallel_loop3A_436 = arith.index_cast %parallel_loop3A_434 : i32 to index
        %parallel_loop3A_437 = arith.index_cast %parallel_loop3A_394 : i32 to index
        %parallel_loop3A_438 = arith.index_cast %parallel_loop3A_399 : i32 to index
        %parallel_loop3A_439 = tpu.vector_load %arg7[%parallel_loop3A_435, %parallel_loop3A_436, %parallel_loop3A_437, %parallel_loop3A_438] {strides = array<i32>} : memref<2x4x4x1024xf32, #tpu.memory_space<vmem>>, vector<1x1x1x16xf32>,
        %parallel_loop3A_440 = vector.shape_cast %parallel_loop3A_439 : vector<1x1x1x16xf32> to vector<16xf32>
        %parallel_loop3A_441 = vector.shape_cast %parallel_loop3A_432 : vector<16xf32> to vector<1x1x1x16xf32>
        tpu.vector_store %arg7[%parallel_loop3A_435, %parallel_loop3A_436, %parallel_loop3A_437, %parallel_loop3A_438], %parallel_loop3A_441 {strides = array<i32>} : memref<2x4x4x1024xf32, #tpu.memory_space<vmem>>, vector<1x1x1x16xf32>,
        %parallel_loop3A_442 = arith.constant 0 : i32
        %parallel_loop3A_443 = arith.constant 2 : i32
        %parallel_loop3A_444 = arith.index_cast %parallel_loop3A_442 : i32 to index
        %parallel_loop3A_445 = arith.index_cast %parallel_loop3A_443 : i32 to index
        %parallel_loop3A_446 = arith.index_cast %parallel_loop3A_394 : i32 to index
        %parallel_loop3A_447 = arith.index_cast %parallel_loop3A_399 : i32 to index
        %parallel_loop3A_448 = tpu.vector_load %arg6[%parallel_loop3A_444, %parallel_loop3A_445, %parallel_loop3A_446, %parallel_loop3A_447] {strides = array<i32>} : memref<4x4x4x1024xf32, #tpu.memory_space<vmem>>, vector<1x1x1x16xf32>,
        %parallel_loop3A_449 = vector.shape_cast %parallel_loop3A_448 : vector<1x1x1x16xf32> to vector<16xf32>
        %parallel_loop3A_450 = arith.addf %parallel_loop3A_449, %parallel_loop3A_405 : vector<16xf32>
        %parallel_loop3A_451 = arith.constant 0 : i32
        %parallel_loop3A_452 = arith.constant 2 : i32
        %parallel_loop3A_453 = arith.index_cast %parallel_loop3A_451 : i32 to index
        %parallel_loop3A_454 = arith.index_cast %parallel_loop3A_452 : i32 to index
        %parallel_loop3A_455 = arith.index_cast %parallel_loop3A_394 : i32 to index
        %parallel_loop3A_456 = arith.index_cast %parallel_loop3A_399 : i32 to index
        %parallel_loop3A_457 = tpu.vector_load %arg7[%parallel_loop3A_453, %parallel_loop3A_454, %parallel_loop3A_455, %parallel_loop3A_456] {strides = array<i32>} : memref<2x4x4x1024xf32, #tpu.memory_space<vmem>>, vector<1x1x1x16xf32>,
        %parallel_loop3A_458 = vector.shape_cast %parallel_loop3A_457 : vector<1x1x1x16xf32> to vector<16xf32>
        %parallel_loop3A_459 = vector.shape_cast %parallel_loop3A_450 : vector<16xf32> to vector<1x1x1x16xf32>
        tpu.vector_store %arg7[%parallel_loop3A_453, %parallel_loop3A_454, %parallel_loop3A_455, %parallel_loop3A_456], %parallel_loop3A_459 {strides = array<i32>} : memref<2x4x4x1024xf32, #tpu.memory_space<vmem>>, vector<1x1x1x16xf32>,
        %parallel_loop3A_460 = arith.constant 0 : i32
        %parallel_loop3A_461 = arith.constant 3 : i32
        %parallel_loop3A_462 = arith.index_cast %parallel_loop3A_460 : i32 to index
        %parallel_loop3A_463 = arith.index_cast %parallel_loop3A_461 : i32 to index
        %parallel_loop3A_464 = arith.index_cast %parallel_loop3A_394 : i32 to index
        %parallel_loop3A_465 = arith.index_cast %parallel_loop3A_399 : i32 to index
        %parallel_loop3A_466 = tpu.vector_load %arg6[%parallel_loop3A_462, %parallel_loop3A_463, %parallel_loop3A_464, %parallel_loop3A_465] {strides = array<i32>} : memref<4x4x4x1024xf32, #tpu.memory_space<vmem>>, vector<1x1x1x16xf32>,
        %parallel_loop3A_467 = vector.shape_cast %parallel_loop3A_466 : vector<1x1x1x16xf32> to vector<16xf32>
        %parallel_loop3A_468 = arith.addf %parallel_loop3A_467, %parallel_loop3A_405 : vector<16xf32>
        %parallel_loop3A_469 = arith.constant 0 : i32
        %parallel_loop3A_470 = arith.constant 3 : i32
        %parallel_loop3A_471 = arith.index_cast %parallel_loop3A_469 : i32 to index
        %parallel_loop3A_472 = arith.index_cast %parallel_loop3A_470 : i32 to index
        %parallel_loop3A_473 = arith.index_cast %parallel_loop3A_394 : i32 to index
        %parallel_loop3A_474 = arith.index_cast %parallel_loop3A_399 : i32 to index
        %parallel_loop3A_475 = tpu.vector_load %arg7[%parallel_loop3A_471, %parallel_loop3A_472, %parallel_loop3A_473, %parallel_loop3A_474] {strides = array<i32>} : memref<2x4x4x1024xf32, #tpu.memory_space<vmem>>, vector<1x1x1x16xf32>,
        %parallel_loop3A_476 = vector.shape_cast %parallel_loop3A_475 : vector<1x1x1x16xf32> to vector<16xf32>
        %parallel_loop3A_477 = vector.shape_cast %parallel_loop3A_468 : vector<16xf32> to vector<1x1x1x16xf32>
        tpu.vector_store %arg7[%parallel_loop3A_471, %parallel_loop3A_472, %parallel_loop3A_473, %parallel_loop3A_474], %parallel_loop3A_477 {strides = array<i32>} : memref<2x4x4x1024xf32, #tpu.memory_space<vmem>>, vector<1x1x1x16xf32>,
      } {sc.loop_unroll_factor = 8 : i64, sc.parallel_access}
      %mul3A_156 = arith.constant 4 : i32
      %mul3A_157 = arith.muli %add3A_112, %mul3A_156 : i32
      %add3A_158 = arith.addi %mul3A_2, %mul3A_157 : i32
      %dma_start3A_159 = arith.constant 0 : i32
      %dma_start3A_160 = arith.constant 0 : i32
      %dma_start3A_161 = arith.constant 0 : i32
      %dma_start3A_162 = arith.constant 0 : i32
      %dma_start3A_163 = tpu.memref_slice %arg7[%dma_start3A_159, %dma_start3A_160, %dma_start3A_161, %dma_start3A_162] : memref<2x4x4x1024xf32, #tpu.memory_space<vmem>> -> memref<1x4x4x1024xf32, #tpu.memory_space<vmem>>
      %dma_start3A_164 = tpu.memref_squeeze %dma_start3A_163 : memref<1x4x4x1024xf32, #tpu.memory_space<vmem>> -> memref<4x4x1024xf32, #tpu.memory_space<vmem>>
      %dma_start3A_165 = arith.constant 0 : i32
      %dma_start3A_166 = arith.constant 0 : i32
      %dma_start3A_167 = tpu.memref_slice %arg4[%dma_start3A_165, %add3A_158, %dma_start3A_166] : memref<4x8192x1024xf32, #tpu.memory_space<hbm>> -> memref<4x4x1024xf32, #tpu.memory_space<hbm>>
      %dma_start3A_168 = arith.constant 0 : i32
      %dma_start3A_169 = arith.constant 0 : i32
      %dma_start3A_170 = tpu.memref_slice %arg4[%dma_start3A_168, %add3A_158, %dma_start3A_169] : memref<4x8192x1024xf32, #tpu.memory_space<hbm>> -> memref<4x4x1024xf32, #tpu.memory_space<hbm>>
      %dma_start3A_171 = arith.constant 0 : i32
      %dma_start3A_172 = arith.constant 0 : i32
      %dma_start3A_173 = arith.constant 0 : i32
      %dma_start3A_174 = tpu.memref_slice %arg7[%dma_start3A_159, %dma_start3A_171, %dma_start3A_172, %dma_start3A_173] : memref<2x4x4x1024xf32, #tpu.memory_space<vmem>> -> memref<1x4x4x1024xf32, #tpu.memory_space<vmem>>
      %dma_start3A_175 = tpu.memref_squeeze %dma_start3A_174 : memref<1x4x4x1024xf32, #tpu.memory_space<vmem>> -> memref<4x4x1024xf32, #tpu.memory_space<vmem>>
      tpu.enqueue_dma source(%dma_start3A_175 : memref<4x4x1024xf32, #tpu.memory_space<vmem>>) target(%dma_start3A_170 : memref<4x4x1024xf32, #tpu.memory_space<hbm>>) target_semaphore(%arg12 : memref<!tpu.dma_semaphore, #tpu.memory_space<semaphore_mem>>)
      %mul3A_176 = arith.constant 4 : i32
      %mul3A_177 = arith.muli %scan3A_108, %mul3A_176 : i32
      %add3A_178 = arith.constant 1 : i32
      %add3A_179 = arith.addi %mul3A_177, %add3A_178 : i32
      %add3A_180 = arith.constant 2 : i32
      %add3A_181 = arith.addi %add3A_179, %add3A_180 : i32
      %lt3A_182 = arith.constant 64 : i32
      %lt3A_183 = arith.cmpi slt, %add3A_181, %lt3A_182 : i32
      %convert_element_type3A_184 = arith.extui %lt3A_183 : i1 to i32
      %cond3A_185 = arith.constant 0 : i32
      %cond3A_186 = arith.cmpi ne, %convert_element_type3A_184, %cond3A_185 : i32
      scf.if %cond3A_186 {
        %add3A_392 = arith.constant 2 : i32
        %add3A_393 = arith.addi %add3A_179, %add3A_392 : i32
        %mul3A_394 = arith.constant 4 : i32
        %mul3A_395 = arith.muli %add3A_393, %mul3A_394 : i32
        %add3A_396 = arith.addi %mul3A_2, %mul3A_395 : i32
        %dma_start3A_397 = arith.constant 3 : i32
        %dma_start3A_398 = arith.constant 0 : i32
        %dma_start3A_399 = arith.constant 0 : i32
        %dma_start3A_400 = tpu.memref_slice %arg5[%dma_start3A_397, %dma_start3A_398, %dma_start3A_399] : memref<4x4x1024xf32, #tpu.memory_space<vmem>> -> memref<1x4x1024xf32, #tpu.memory_space<vmem>>
        %dma_start3A_401 = tpu.memref_squeeze %dma_start3A_400 : memref<1x4x1024xf32, #tpu.memory_space<vmem>> -> memref<4x1024xf32, #tpu.memory_space<vmem>>
        %dma_start3A_402 = arith.constant 0 : i32
        %dma_start3A_403 = tpu.memref_slice %arg3[%add3A_396, %dma_start3A_402] : memref<8192x1024xf32, #tpu.memory_space<hbm>> -> memref<4x1024xf32, #tpu.memory_space<hbm>>
        %dma_start3A_404 = arith.constant 0 : i32
        %dma_start3A_405 = arith.constant 0 : i32
        %dma_start3A_406 = tpu.memref_slice %arg5[%dma_start3A_397, %dma_start3A_404, %dma_start3A_405] : memref<4x4x1024xf32, #tpu.memory_space<vmem>> -> memref<1x4x1024xf32, #tpu.memory_space<vmem>>
        %dma_start3A_407 = tpu.memref_squeeze %dma_start3A_406 : memref<1x4x1024xf32, #tpu.memory_space<vmem>> -> memref<4x1024xf32, #tpu.memory_space<vmem>>
        %dma_start3A_408 = arith.constant 0 : i32
        %dma_start3A_409 = tpu.memref_slice %arg3[%add3A_396, %dma_start3A_408] : memref<8192x1024xf32, #tpu.memory_space<hbm>> -> memref<4x1024xf32, #tpu.memory_space<hbm>>
        tpu.enqueue_dma source(%dma_start3A_409 : memref<4x1024xf32, #tpu.memory_space<hbm>>) target(%dma_start3A_407 : memref<4x1024xf32, #tpu.memory_space<vmem>>) target_semaphore(%arg11 : memref<!tpu.dma_semaphore, #tpu.memory_space<semaphore_mem>>)
        %dma_start3A_410 = arith.constant 3 : i32
        %dma_start3A_411 = arith.constant 0 : i32
        %dma_start3A_412 = arith.constant 0 : i32
        %dma_start3A_413 = arith.constant 0 : i32
        %dma_start3A_414 = tpu.memref_slice %arg6[%dma_start3A_410, %dma_start3A_411, %dma_start3A_412, %dma_start3A_413] : memref<4x4x4x1024xf32, #tpu.memory_space<vmem>> -> memref<1x4x4x1024xf32, #tpu.memory_space<vmem>>
        %dma_start3A_415 = tpu.memref_squeeze %dma_start3A_414 : memref<1x4x4x1024xf32, #tpu.memory_space<vmem>> -> memref<4x4x1024xf32, #tpu.memory_space<vmem>>
        %dma_start3A_416 = arith.constant 0 : i32
        %dma_start3A_417 = arith.constant 0 : i32
        %dma_start3A_418 = tpu.memref_slice %arg2[%dma_start3A_416, %add3A_396, %dma_start3A_417] : memref<4x8192x1024xf32, #tpu.memory_space<hbm>> -> memref<4x4x1024xf32, #tpu.memory_space<hbm>>
        %dma_start3A_419 = arith.constant 0 : i32
        %dma_start3A_420 = arith.constant 0 : i32
        %dma_start3A_421 = arith.constant 0 : i32
        %dma_start3A_422 = tpu.memref_slice %arg6[%dma_start3A_410, %dma_start3A_419, %dma_start3A_420, %dma_start3A_421] : memref<4x4x4x1024xf32, #tpu.memory_space<vmem>> -> memref<1x4x4x1024xf32, #tpu.memory_space<vmem>>
        %dma_start3A_423 = tpu.memref_squeeze %dma_start3A_422 : memref<1x4x4x1024xf32, #tpu.memory_space<vmem>> -> memref<4x4x1024xf32, #tpu.memory_space<vmem>>
        %dma_start3A_424 = arith.constant 0 : i32
        %dma_start3A_425 = arith.constant 0 : i32
        %dma_start3A_426 = tpu.memref_slice %arg2[%dma_start3A_424, %add3A_396, %dma_start3A_425] : memref<4x8192x1024xf32, #tpu.memory_space<hbm>> -> memref<4x4x1024xf32, #tpu.memory_space<hbm>>
        tpu.enqueue_dma source(%dma_start3A_426 : memref<4x4x1024xf32, #tpu.memory_space<hbm>>) target(%dma_start3A_423 : memref<4x4x1024xf32, #tpu.memory_space<vmem>>) target_semaphore(%arg11 : memref<!tpu.dma_semaphore, #tpu.memory_space<semaphore_mem>>)
      } else {
      }
      %ge3A_187 = arith.constant 2 : i32
      %ge3A_188 = arith.cmpi sge, %add3A_179, %ge3A_187 : i32
      %convert_element_type3A_189 = arith.extui %ge3A_188 : i1 to i32
      %cond3A_190 = arith.constant 0 : i32
      %cond3A_191 = arith.cmpi ne, %convert_element_type3A_189, %cond3A_190 : i32
      scf.if %cond3A_191 {
        %sub3A = arith.constant 2 : i32
        %sub3A_392 = arith.subi %add3A_179, %sub3A : i32
        %mul3A_393 = arith.constant 4 : i32
        %mul3A_394 = arith.muli %sub3A_392, %mul3A_393 : i32
        %add3A_395 = arith.addi %mul3A_2, %mul3A_394 : i32
        %dma_wait3A_396 = arith.constant 1 : i32
        %dma_wait3A_397 = arith.constant 0 : i32
        %dma_wait3A_398 = arith.constant 0 : i32
        %dma_wait3A_399 = arith.constant 0 : i32
        %dma_wait3A_400 = tpu.memref_slice %arg7[%dma_wait3A_396, %dma_wait3A_397, %dma_wait3A_398, %dma_wait3A_399] : memref<2x4x4x1024xf32, #tpu.memory_space<vmem>> -> memref<1x4x4x1024xf32, #tpu.memory_space<vmem>>
        %dma_wait3A_401 = tpu.memref_squeeze %dma_wait3A_400 : memref<1x4x4x1024xf32, #tpu.memory_space<vmem>> -> memref<4x4x1024xf32, #tpu.memory_space<vmem>>
        %dma_wait3A_402 = arith.constant 0 : i32
        %dma_wait3A_403 = arith.constant 0 : i32
        %dma_wait3A_404 = tpu.memref_slice %arg4[%dma_wait3A_402, %add3A_395, %dma_wait3A_403] : memref<4x8192x1024xf32, #tpu.memory_space<hbm>> -> memref<4x4x1024xf32, #tpu.memory_space<hbm>>
        %dma_wait3A_405 = arith.constant 0 : i32
        %dma_wait3A_406 = arith.constant 0 : i32
        %dma_wait3A_407 = tpu.memref_slice %arg4[%dma_wait3A_405, %add3A_395, %dma_wait3A_406] : memref<4x8192x1024xf32, #tpu.memory_space<hbm>> -> memref<4x4x1024xf32, #tpu.memory_space<hbm>>
        %dma_wait3A_408 = arith.constant 0 : i32
        %dma_wait3A_409 = arith.constant 0 : i32
        %dma_wait3A_410 = arith.constant 0 : i32
        %dma_wait3A_411 = tpu.memref_slice %arg7[%dma_wait3A_396, %dma_wait3A_408, %dma_wait3A_409, %dma_wait3A_410] : memref<2x4x4x1024xf32, #tpu.memory_space<vmem>> -> memref<1x4x4x1024xf32, #tpu.memory_space<vmem>>
        %dma_wait3A_412 = tpu.memref_squeeze %dma_wait3A_411 : memref<1x4x4x1024xf32, #tpu.memory_space<vmem>> -> memref<4x4x1024xf32, #tpu.memory_space<vmem>>
        tpu.wait_dma2 semaphore(%arg13 : memref<!tpu.dma_semaphore, #tpu.memory_space<semaphore_mem>>) src(%dma_wait3A_412 : memref<4x4x1024xf32, #tpu.memory_space<vmem>>) dst(%dma_wait3A_407 : memref<4x4x1024xf32, #tpu.memory_space<hbm>>)
      } else {
      }
      %mul3A_192 = arith.constant 4 : i32
      %mul3A_193 = arith.muli %add3A_179, %mul3A_192 : i32
      %add3A_194 = arith.addi %mul3A_2, %mul3A_193 : i32
      %dma_wait3A_195 = arith.constant 1 : i32
      %dma_wait3A_196 = arith.constant 0 : i32
      %dma_wait3A_197 = arith.constant 0 : i32
      %dma_wait3A_198 = tpu.memref_slice %arg5[%dma_wait3A_195, %dma_wait3A_196, %dma_wait3A_197] : memref<4x4x1024xf32, #tpu.memory_space<vmem>> -> memref<1x4x1024xf32, #tpu.memory_space<vmem>>
      %dma_wait3A_199 = tpu.memref_squeeze %dma_wait3A_198 : memref<1x4x1024xf32, #tpu.memory_space<vmem>> -> memref<4x1024xf32, #tpu.memory_space<vmem>>
      %dma_wait3A_200 = arith.constant 0 : i32
      %dma_wait3A_201 = tpu.memref_slice %arg3[%add3A_194, %dma_wait3A_200] : memref<8192x1024xf32, #tpu.memory_space<hbm>> -> memref<4x1024xf32, #tpu.memory_space<hbm>>
      %dma_wait3A_202 = arith.constant 0 : i32
      %dma_wait3A_203 = arith.constant 0 : i32
      %dma_wait3A_204 = tpu.memref_slice %arg5[%dma_wait3A_195, %dma_wait3A_202, %dma_wait3A_203] : memref<4x4x1024xf32, #tpu.memory_space<vmem>> -> memref<1x4x1024xf32, #tpu.memory_space<vmem>>
      %dma_wait3A_205 = tpu.memref_squeeze %dma_wait3A_204 : memref<1x4x1024xf32, #tpu.memory_space<vmem>> -> memref<4x1024xf32, #tpu.memory_space<vmem>>
      %dma_wait3A_206 = arith.constant 0 : i32
      %dma_wait3A_207 = tpu.memref_slice %arg3[%add3A_194, %dma_wait3A_206] : memref<8192x1024xf32, #tpu.memory_space<hbm>> -> memref<4x1024xf32, #tpu.memory_space<hbm>>
      tpu.wait_dma2 semaphore(%arg9 : memref<!tpu.dma_semaphore, #tpu.memory_space<semaphore_mem>>) src(%dma_wait3A_207 : memref<4x1024xf32, #tpu.memory_space<hbm>>) dst(%dma_wait3A_205 : memref<4x1024xf32, #tpu.memory_space<vmem>>)
      %dma_wait3A_208 = arith.constant 1 : i32
      %dma_wait3A_209 = arith.constant 0 : i32
      %dma_wait3A_210 = arith.constant 0 : i32
      %dma_wait3A_211 = arith.constant 0 : i32
      %dma_wait3A_212 = tpu.memref_slice %arg6[%dma_wait3A_208, %dma_wait3A_209, %dma_wait3A_210, %dma_wait3A_211] : memref<4x4x4x1024xf32, #tpu.memory_space<vmem>> -> memref<1x4x4x1024xf32, #tpu.memory_space<vmem>>
      %dma_wait3A_213 = tpu.memref_squeeze %dma_wait3A_212 : memref<1x4x4x1024xf32, #tpu.memory_space<vmem>> -> memref<4x4x1024xf32, #tpu.memory_space<vmem>>
      %dma_wait3A_214 = arith.constant 0 : i32
      %dma_wait3A_215 = arith.constant 0 : i32
      %dma_wait3A_216 = tpu.memref_slice %arg2[%dma_wait3A_214, %add3A_194, %dma_wait3A_215] : memref<4x8192x1024xf32, #tpu.memory_space<hbm>> -> memref<4x4x1024xf32, #tpu.memory_space<hbm>>
      %dma_wait3A_217 = arith.constant 0 : i32
      %dma_wait3A_218 = arith.constant 0 : i32
      %dma_wait3A_219 = arith.constant 0 : i32
      %dma_wait3A_220 = tpu.memref_slice %arg6[%dma_wait3A_208, %dma_wait3A_217, %dma_wait3A_218, %dma_wait3A_219] : memref<4x4x4x1024xf32, #tpu.memory_space<vmem>> -> memref<1x4x4x1024xf32, #tpu.memory_space<vmem>>
      %dma_wait3A_221 = tpu.memref_squeeze %dma_wait3A_220 : memref<1x4x4x1024xf32, #tpu.memory_space<vmem>> -> memref<4x4x1024xf32, #tpu.memory_space<vmem>>
      %dma_wait3A_222 = arith.constant 0 : i32
      %dma_wait3A_223 = arith.constant 0 : i32
      %dma_wait3A_224 = tpu.memref_slice %arg2[%dma_wait3A_222, %add3A_194, %dma_wait3A_223] : memref<4x8192x1024xf32, #tpu.memory_space<hbm>> -> memref<4x4x1024xf32, #tpu.memory_space<hbm>>
      tpu.wait_dma2 semaphore(%arg9 : memref<!tpu.dma_semaphore, #tpu.memory_space<semaphore_mem>>) src(%dma_wait3A_224 : memref<4x4x1024xf32, #tpu.memory_space<hbm>>) dst(%dma_wait3A_221 : memref<4x4x1024xf32, #tpu.memory_space<vmem>>)
      %parallel_loop3A_225 = arith.constant 0 : i32
      %parallel_loop3A_226 = arith.constant 256 : i32
      %parallel_loop3A_227 = arith.constant 1 : i32
      scf.for %parallel_loop3A_392 = %parallel_loop3A_225 to %parallel_loop3A_226 step %parallel_loop3A_227  : i32 {
        %parallel_loop3A_393 = arith.constant 6 : i32
        %parallel_loop3A_394 = arith.shrui %parallel_loop3A_392, %parallel_loop3A_393 : i32
        %parallel_loop3A_395 = arith.constant 63 : i32
        %parallel_loop3A_396 = arith.andi %parallel_loop3A_392, %parallel_loop3A_395 : i32
        %parallel_loop3A_397 = arith.constant 4 : i32
        %parallel_loop3A_398 = arith.shli %parallel_loop3A_396, %parallel_loop3A_397 : i32
        %parallel_loop3A_399 = tpu.assume_multiple %parallel_loop3A_398, 16 : i32
        %parallel_loop3A_400 = arith.constant 1 : i32
        %parallel_loop3A_401 = arith.index_cast %parallel_loop3A_400 : i32 to index
        %parallel_loop3A_402 = arith.index_cast %parallel_loop3A_394 : i32 to index
        %parallel_loop3A_403 = arith.index_cast %parallel_loop3A_399 : i32 to index
        %parallel_loop3A_404 = tpu.vector_load %arg5[%parallel_loop3A_401, %parallel_loop3A_402, %parallel_loop3A_403] {strides = array<i32>} : memref<4x4x1024xf32, #tpu.memory_space<vmem>>, vector<1x1x16xf32>,
        %parallel_loop3A_405 = vector.shape_cast %parallel_loop3A_404 : vector<1x1x16xf32> to vector<16xf32>
        %parallel_loop3A_406 = arith.constant 1 : i32
        %parallel_loop3A_407 = arith.constant 0 : i32
        %parallel_loop3A_408 = arith.index_cast %parallel_loop3A_406 : i32 to index
        %parallel_loop3A_409 = arith.index_cast %parallel_loop3A_407 : i32 to index
        %parallel_loop3A_410 = arith.index_cast %parallel_loop3A_394 : i32 to index
        %parallel_loop3A_411 = arith.index_cast %parallel_loop3A_399 : i32 to index
        %parallel_loop3A_412 = tpu.vector_load %arg6[%parallel_loop3A_408, %parallel_loop3A_409, %parallel_loop3A_410, %parallel_loop3A_411] {strides = array<i32>} : memref<4x4x4x1024xf32, #tpu.memory_space<vmem>>, vector<1x1x1x16xf32>,
        %parallel_loop3A_413 = vector.shape_cast %parallel_loop3A_412 : vector<1x1x1x16xf32> to vector<16xf32>
        %parallel_loop3A_414 = arith.addf %parallel_loop3A_413, %parallel_loop3A_405 : vector<16xf32>
        %parallel_loop3A_415 = arith.constant 1 : i32
        %parallel_loop3A_416 = arith.constant 0 : i32
        %parallel_loop3A_417 = arith.index_cast %parallel_loop3A_415 : i32 to index
        %parallel_loop3A_418 = arith.index_cast %parallel_loop3A_416 : i32 to index
        %parallel_loop3A_419 = arith.index_cast %parallel_loop3A_394 : i32 to index
        %parallel_loop3A_420 = arith.index_cast %parallel_loop3A_399 : i32 to index
        %parallel_loop3A_421 = tpu.vector_load %arg7[%parallel_loop3A_417, %parallel_loop3A_418, %parallel_loop3A_419, %parallel_loop3A_420] {strides = array<i32>} : memref<2x4x4x1024xf32, #tpu.memory_space<vmem>>, vector<1x1x1x16xf32>,
        %parallel_loop3A_422 = vector.shape_cast %parallel_loop3A_421 : vector<1x1x1x16xf32> to vector<16xf32>
        %parallel_loop3A_423 = vector.shape_cast %parallel_loop3A_414 : vector<16xf32> to vector<1x1x1x16xf32>
        tpu.vector_store %arg7[%parallel_loop3A_417, %parallel_loop3A_418, %parallel_loop3A_419, %parallel_loop3A_420], %parallel_loop3A_423 {strides = array<i32>} : memref<2x4x4x1024xf32, #tpu.memory_space<vmem>>, vector<1x1x1x16xf32>,
        %parallel_loop3A_424 = arith.constant 1 : i32
        %parallel_loop3A_425 = arith.constant 1 : i32
        %parallel_loop3A_426 = arith.index_cast %parallel_loop3A_424 : i32 to index
        %parallel_loop3A_427 = arith.index_cast %parallel_loop3A_425 : i32 to index
        %parallel_loop3A_428 = arith.index_cast %parallel_loop3A_394 : i32 to index
        %parallel_loop3A_429 = arith.index_cast %parallel_loop3A_399 : i32 to index
        %parallel_loop3A_430 = tpu.vector_load %arg6[%parallel_loop3A_426, %parallel_loop3A_427, %parallel_loop3A_428, %parallel_loop3A_429] {strides = array<i32>} : memref<4x4x4x1024xf32, #tpu.memory_space<vmem>>, vector<1x1x1x16xf32>,
        %parallel_loop3A_431 = vector.shape_cast %parallel_loop3A_430 : vector<1x1x1x16xf32> to vector<16xf32>
        %parallel_loop3A_432 = arith.addf %parallel_loop3A_431, %parallel_loop3A_405 : vector<16xf32>
        %parallel_loop3A_433 = arith.constant 1 : i32
        %parallel_loop3A_434 = arith.constant 1 : i32
        %parallel_loop3A_435 = arith.index_cast %parallel_loop3A_433 : i32 to index
        %parallel_loop3A_436 = arith.index_cast %parallel_loop3A_434 : i32 to index
        %parallel_loop3A_437 = arith.index_cast %parallel_loop3A_394 : i32 to index
        %parallel_loop3A_438 = arith.index_cast %parallel_loop3A_399 : i32 to index
        %parallel_loop3A_439 = tpu.vector_load %arg7[%parallel_loop3A_435, %parallel_loop3A_436, %parallel_loop3A_437, %parallel_loop3A_438] {strides = array<i32>} : memref<2x4x4x1024xf32, #tpu.memory_space<vmem>>, vector<1x1x1x16xf32>,
        %parallel_loop3A_440 = vector.shape_cast %parallel_loop3A_439 : vector<1x1x1x16xf32> to vector<16xf32>
        %parallel_loop3A_441 = vector.shape_cast %parallel_loop3A_432 : vector<16xf32> to vector<1x1x1x16xf32>
        tpu.vector_store %arg7[%parallel_loop3A_435, %parallel_loop3A_436, %parallel_loop3A_437, %parallel_loop3A_438], %parallel_loop3A_441 {strides = array<i32>} : memref<2x4x4x1024xf32, #tpu.memory_space<vmem>>, vector<1x1x1x16xf32>,
        %parallel_loop3A_442 = arith.constant 1 : i32
        %parallel_loop3A_443 = arith.constant 2 : i32
        %parallel_loop3A_444 = arith.index_cast %parallel_loop3A_442 : i32 to index
        %parallel_loop3A_445 = arith.index_cast %parallel_loop3A_443 : i32 to index
        %parallel_loop3A_446 = arith.index_cast %parallel_loop3A_394 : i32 to index
        %parallel_loop3A_447 = arith.index_cast %parallel_loop3A_399 : i32 to index
        %parallel_loop3A_448 = tpu.vector_load %arg6[%parallel_loop3A_444, %parallel_loop3A_445, %parallel_loop3A_446, %parallel_loop3A_447] {strides = array<i32>} : memref<4x4x4x1024xf32, #tpu.memory_space<vmem>>, vector<1x1x1x16xf32>,
        %parallel_loop3A_449 = vector.shape_cast %parallel_loop3A_448 : vector<1x1x1x16xf32> to vector<16xf32>
        %parallel_loop3A_450 = arith.addf %parallel_loop3A_449, %parallel_loop3A_405 : vector<16xf32>
        %parallel_loop3A_451 = arith.constant 1 : i32
        %parallel_loop3A_452 = arith.constant 2 : i32
        %parallel_loop3A_453 = arith.index_cast %parallel_loop3A_451 : i32 to index
        %parallel_loop3A_454 = arith.index_cast %parallel_loop3A_452 : i32 to index
        %parallel_loop3A_455 = arith.index_cast %parallel_loop3A_394 : i32 to index
        %parallel_loop3A_456 = arith.index_cast %parallel_loop3A_399 : i32 to index
        %parallel_loop3A_457 = tpu.vector_load %arg7[%parallel_loop3A_453, %parallel_loop3A_454, %parallel_loop3A_455, %parallel_loop3A_456] {strides = array<i32>} : memref<2x4x4x1024xf32, #tpu.memory_space<vmem>>, vector<1x1x1x16xf32>,
        %parallel_loop3A_458 = vector.shape_cast %parallel_loop3A_457 : vector<1x1x1x16xf32> to vector<16xf32>
        %parallel_loop3A_459 = vector.shape_cast %parallel_loop3A_450 : vector<16xf32> to vector<1x1x1x16xf32>
        tpu.vector_store %arg7[%parallel_loop3A_453, %parallel_loop3A_454, %parallel_loop3A_455, %parallel_loop3A_456], %parallel_loop3A_459 {strides = array<i32>} : memref<2x4x4x1024xf32, #tpu.memory_space<vmem>>, vector<1x1x1x16xf32>,
        %parallel_loop3A_460 = arith.constant 1 : i32
        %parallel_loop3A_461 = arith.constant 3 : i32
        %parallel_loop3A_462 = arith.index_cast %parallel_loop3A_460 : i32 to index
        %parallel_loop3A_463 = arith.index_cast %parallel_loop3A_461 : i32 to index
        %parallel_loop3A_464 = arith.index_cast %parallel_loop3A_394 : i32 to index
        %parallel_loop3A_465 = arith.index_cast %parallel_loop3A_399 : i32 to index
        %parallel_loop3A_466 = tpu.vector_load %arg6[%parallel_loop3A_462, %parallel_loop3A_463, %parallel_loop3A_464, %parallel_loop3A_465] {strides = array<i32>} : memref<4x4x4x1024xf32, #tpu.memory_space<vmem>>, vector<1x1x1x16xf32>,
        %parallel_loop3A_467 = vector.shape_cast %parallel_loop3A_466 : vector<1x1x1x16xf32> to vector<16xf32>
        %parallel_loop3A_468 = arith.addf %parallel_loop3A_467, %parallel_loop3A_405 : vector<16xf32>
        %parallel_loop3A_469 = arith.constant 1 : i32
        %parallel_loop3A_470 = arith.constant 3 : i32
        %parallel_loop3A_471 = arith.index_cast %parallel_loop3A_469 : i32 to index
        %parallel_loop3A_472 = arith.index_cast %parallel_loop3A_470 : i32 to index
        %parallel_loop3A_473 = arith.index_cast %parallel_loop3A_394 : i32 to index
        %parallel_loop3A_474 = arith.index_cast %parallel_loop3A_399 : i32 to index
        %parallel_loop3A_475 = tpu.vector_load %arg7[%parallel_loop3A_471, %parallel_loop3A_472, %parallel_loop3A_473, %parallel_loop3A_474] {strides = array<i32>} : memref<2x4x4x1024xf32, #tpu.memory_space<vmem>>, vector<1x1x1x16xf32>,
        %parallel_loop3A_476 = vector.shape_cast %parallel_loop3A_475 : vector<1x1x1x16xf32> to vector<16xf32>
        %parallel_loop3A_477 = vector.shape_cast %parallel_loop3A_468 : vector<16xf32> to vector<1x1x1x16xf32>
        tpu.vector_store %arg7[%parallel_loop3A_471, %parallel_loop3A_472, %parallel_loop3A_473, %parallel_loop3A_474], %parallel_loop3A_477 {strides = array<i32>} : memref<2x4x4x1024xf32, #tpu.memory_space<vmem>>, vector<1x1x1x16xf32>,
      } {sc.loop_unroll_factor = 8 : i64, sc.parallel_access}
      %mul3A_228 = arith.constant 4 : i32
      %mul3A_229 = arith.muli %add3A_179, %mul3A_228 : i32
      %add3A_230 = arith.addi %mul3A_2, %mul3A_229 : i32
      %dma_start3A_231 = arith.constant 1 : i32
      %dma_start3A_232 = arith.constant 0 : i32
      %dma_start3A_233 = arith.constant 0 : i32
      %dma_start3A_234 = arith.constant 0 : i32
      %dma_start3A_235 = tpu.memref_slice %arg7[%dma_start3A_231, %dma_start3A_232, %dma_start3A_233, %dma_start3A_234] : memref<2x4x4x1024xf32, #tpu.memory_space<vmem>> -> memref<1x4x4x1024xf32, #tpu.memory_space<vmem>>
      %dma_start3A_236 = tpu.memref_squeeze %dma_start3A_235 : memref<1x4x4x1024xf32, #tpu.memory_space<vmem>> -> memref<4x4x1024xf32, #tpu.memory_space<vmem>>
      %dma_start3A_237 = arith.constant 0 : i32
      %dma_start3A_238 = arith.constant 0 : i32
      %dma_start3A_239 = tpu.memref_slice %arg4[%dma_start3A_237, %add3A_230, %dma_start3A_238] : memref<4x8192x1024xf32, #tpu.memory_space<hbm>> -> memref<4x4x1024xf32, #tpu.memory_space<hbm>>
      %dma_start3A_240 = arith.constant 0 : i32
      %dma_start3A_241 = arith.constant 0 : i32
      %dma_start3A_242 = tpu.memref_slice %arg4[%dma_start3A_240, %add3A_230, %dma_start3A_241] : memref<4x8192x1024xf32, #tpu.memory_space<hbm>> -> memref<4x4x1024xf32, #tpu.memory_space<hbm>>
      %dma_start3A_243 = arith.constant 0 : i32
      %dma_start3A_244 = arith.constant 0 : i32
      %dma_start3A_245 = arith.constant 0 : i32
      %dma_start3A_246 = tpu.memref_slice %arg7[%dma_start3A_231, %dma_start3A_243, %dma_start3A_244, %dma_start3A_245] : memref<2x4x4x1024xf32, #tpu.memory_space<vmem>> -> memref<1x4x4x1024xf32, #tpu.memory_space<vmem>>
      %dma_start3A_247 = tpu.memref_squeeze %dma_start3A_246 : memref<1x4x4x1024xf32, #tpu.memory_space<vmem>> -> memref<4x4x1024xf32, #tpu.memory_space<vmem>>
      tpu.enqueue_dma source(%dma_start3A_247 : memref<4x4x1024xf32, #tpu.memory_space<vmem>>) target(%dma_start3A_242 : memref<4x4x1024xf32, #tpu.memory_space<hbm>>) target_semaphore(%arg13 : memref<!tpu.dma_semaphore, #tpu.memory_space<semaphore_mem>>)
      %mul3A_248 = arith.constant 4 : i32
      %mul3A_249 = arith.muli %scan3A_108, %mul3A_248 : i32
      %add3A_250 = arith.constant 2 : i32
      %add3A_251 = arith.addi %mul3A_249, %add3A_250 : i32
      %add3A_252 = arith.constant 2 : i32
      %add3A_253 = arith.addi %add3A_251, %add3A_252 : i32
      %lt3A_254 = arith.constant 64 : i32
      %lt3A_255 = arith.cmpi slt, %add3A_253, %lt3A_254 : i32
      %convert_element_type3A_256 = arith.extui %lt3A_255 : i1 to i32
      %cond3A_257 = arith.constant 0 : i32
      %cond3A_258 = arith.cmpi ne, %convert_element_type3A_256, %cond3A_257 : i32
      scf.if %cond3A_258 {
        %add3A_392 = arith.constant 2 : i32
        %add3A_393 = arith.addi %add3A_251, %add3A_392 : i32
        %mul3A_394 = arith.constant 4 : i32
        %mul3A_395 = arith.muli %add3A_393, %mul3A_394 : i32
        %add3A_396 = arith.addi %mul3A_2, %mul3A_395 : i32
        %dma_start3A_397 = arith.constant 0 : i32
        %dma_start3A_398 = arith.constant 0 : i32
        %dma_start3A_399 = arith.constant 0 : i32
        %dma_start3A_400 = tpu.memref_slice %arg5[%dma_start3A_397, %dma_start3A_398, %dma_start3A_399] : memref<4x4x1024xf32, #tpu.memory_space<vmem>> -> memref<1x4x1024xf32, #tpu.memory_space<vmem>>
        %dma_start3A_401 = tpu.memref_squeeze %dma_start3A_400 : memref<1x4x1024xf32, #tpu.memory_space<vmem>> -> memref<4x1024xf32, #tpu.memory_space<vmem>>
        %dma_start3A_402 = arith.constant 0 : i32
        %dma_start3A_403 = tpu.memref_slice %arg3[%add3A_396, %dma_start3A_402] : memref<8192x1024xf32, #tpu.memory_space<hbm>> -> memref<4x1024xf32, #tpu.memory_space<hbm>>
        %dma_start3A_404 = arith.constant 0 : i32
        %dma_start3A_405 = arith.constant 0 : i32
        %dma_start3A_406 = tpu.memref_slice %arg5[%dma_start3A_397, %dma_start3A_404, %dma_start3A_405] : memref<4x4x1024xf32, #tpu.memory_space<vmem>> -> memref<1x4x1024xf32, #tpu.memory_space<vmem>>
        %dma_start3A_407 = tpu.memref_squeeze %dma_start3A_406 : memref<1x4x1024xf32, #tpu.memory_space<vmem>> -> memref<4x1024xf32, #tpu.memory_space<vmem>>
        %dma_start3A_408 = arith.constant 0 : i32
        %dma_start3A_409 = tpu.memref_slice %arg3[%add3A_396, %dma_start3A_408] : memref<8192x1024xf32, #tpu.memory_space<hbm>> -> memref<4x1024xf32, #tpu.memory_space<hbm>>
        tpu.enqueue_dma source(%dma_start3A_409 : memref<4x1024xf32, #tpu.memory_space<hbm>>) target(%dma_start3A_407 : memref<4x1024xf32, #tpu.memory_space<vmem>>) target_semaphore(%arg8 : memref<!tpu.dma_semaphore, #tpu.memory_space<semaphore_mem>>)
        %dma_start3A_410 = arith.constant 0 : i32
        %dma_start3A_411 = arith.constant 0 : i32
        %dma_start3A_412 = arith.constant 0 : i32
        %dma_start3A_413 = arith.constant 0 : i32
        %dma_start3A_414 = tpu.memref_slice %arg6[%dma_start3A_410, %dma_start3A_411, %dma_start3A_412, %dma_start3A_413] : memref<4x4x4x1024xf32, #tpu.memory_space<vmem>> -> memref<1x4x4x1024xf32, #tpu.memory_space<vmem>>
        %dma_start3A_415 = tpu.memref_squeeze %dma_start3A_414 : memref<1x4x4x1024xf32, #tpu.memory_space<vmem>> -> memref<4x4x1024xf32, #tpu.memory_space<vmem>>
        %dma_start3A_416 = arith.constant 0 : i32
        %dma_start3A_417 = arith.constant 0 : i32
        %dma_start3A_418 = tpu.memref_slice %arg2[%dma_start3A_416, %add3A_396, %dma_start3A_417] : memref<4x8192x1024xf32, #tpu.memory_space<hbm>> -> memref<4x4x1024xf32, #tpu.memory_space<hbm>>
        %dma_start3A_419 = arith.constant 0 : i32
        %dma_start3A_420 = arith.constant 0 : i32
        %dma_start3A_421 = arith.constant 0 : i32
        %dma_start3A_422 = tpu.memref_slice %arg6[%dma_start3A_410, %dma_start3A_419, %dma_start3A_420, %dma_start3A_421] : memref<4x4x4x1024xf32, #tpu.memory_space<vmem>> -> memref<1x4x4x1024xf32, #tpu.memory_space<vmem>>
        %dma_start3A_423 = tpu.memref_squeeze %dma_start3A_422 : memref<1x4x4x1024xf32, #tpu.memory_space<vmem>> -> memref<4x4x1024xf32, #tpu.memory_space<vmem>>
        %dma_start3A_424 = arith.constant 0 : i32
        %dma_start3A_425 = arith.constant 0 : i32
        %dma_start3A_426 = tpu.memref_slice %arg2[%dma_start3A_424, %add3A_396, %dma_start3A_425] : memref<4x8192x1024xf32, #tpu.memory_space<hbm>> -> memref<4x4x1024xf32, #tpu.memory_space<hbm>>
        tpu.enqueue_dma source(%dma_start3A_426 : memref<4x4x1024xf32, #tpu.memory_space<hbm>>) target(%dma_start3A_423 : memref<4x4x1024xf32, #tpu.memory_space<vmem>>) target_semaphore(%arg8 : memref<!tpu.dma_semaphore, #tpu.memory_space<semaphore_mem>>)
      } else {
      }
      %ge3A_259 = arith.constant 2 : i32
      %ge3A_260 = arith.cmpi sge, %add3A_251, %ge3A_259 : i32
      %convert_element_type3A_261 = arith.extui %ge3A_260 : i1 to i32
      %cond3A_262 = arith.constant 0 : i32
      %cond3A_263 = arith.cmpi ne, %convert_element_type3A_261, %cond3A_262 : i32
      scf.if %cond3A_263 {
        %sub3A = arith.constant 2 : i32
        %sub3A_392 = arith.subi %add3A_251, %sub3A : i32
        %mul3A_393 = arith.constant 4 : i32
        %mul3A_394 = arith.muli %sub3A_392, %mul3A_393 : i32
        %add3A_395 = arith.addi %mul3A_2, %mul3A_394 : i32
        %dma_wait3A_396 = arith.constant 0 : i32
        %dma_wait3A_397 = arith.constant 0 : i32
        %dma_wait3A_398 = arith.constant 0 : i32
        %dma_wait3A_399 = arith.constant 0 : i32
        %dma_wait3A_400 = tpu.memref_slice %arg7[%dma_wait3A_396, %dma_wait3A_397, %dma_wait3A_398, %dma_wait3A_399] : memref<2x4x4x1024xf32, #tpu.memory_space<vmem>> -> memref<1x4x4x1024xf32, #tpu.memory_space<vmem>>
        %dma_wait3A_401 = tpu.memref_squeeze %dma_wait3A_400 : memref<1x4x4x1024xf32, #tpu.memory_space<vmem>> -> memref<4x4x1024xf32, #tpu.memory_space<vmem>>
        %dma_wait3A_402 = arith.constant 0 : i32
        %dma_wait3A_403 = arith.constant 0 : i32
        %dma_wait3A_404 = tpu.memref_slice %arg4[%dma_wait3A_402, %add3A_395, %dma_wait3A_403] : memref<4x8192x1024xf32, #tpu.memory_space<hbm>> -> memref<4x4x1024xf32, #tpu.memory_space<hbm>>
        %dma_wait3A_405 = arith.constant 0 : i32
        %dma_wait3A_406 = arith.constant 0 : i32
        %dma_wait3A_407 = tpu.memref_slice %arg4[%dma_wait3A_405, %add3A_395, %dma_wait3A_406] : memref<4x8192x1024xf32, #tpu.memory_space<hbm>> -> memref<4x4x1024xf32, #tpu.memory_space<hbm>>
        %dma_wait3A_408 = arith.constant 0 : i32
        %dma_wait3A_409 = arith.constant 0 : i32
        %dma_wait3A_410 = arith.constant 0 : i32
        %dma_wait3A_411 = tpu.memref_slice %arg7[%dma_wait3A_396, %dma_wait3A_408, %dma_wait3A_409, %dma_wait3A_410] : memref<2x4x4x1024xf32, #tpu.memory_space<vmem>> -> memref<1x4x4x1024xf32, #tpu.memory_space<vmem>>
        %dma_wait3A_412 = tpu.memref_squeeze %dma_wait3A_411 : memref<1x4x4x1024xf32, #tpu.memory_space<vmem>> -> memref<4x4x1024xf32, #tpu.memory_space<vmem>>
        tpu.wait_dma2 semaphore(%arg12 : memref<!tpu.dma_semaphore, #tpu.memory_space<semaphore_mem>>) src(%dma_wait3A_412 : memref<4x4x1024xf32, #tpu.memory_space<vmem>>) dst(%dma_wait3A_407 : memref<4x4x1024xf32, #tpu.memory_space<hbm>>)
      } else {
      }
      %mul3A_264 = arith.constant 4 : i32
      %mul3A_265 = arith.muli %add3A_251, %mul3A_264 : i32
      %add3A_266 = arith.addi %mul3A_2, %mul3A_265 : i32
      %dma_wait3A_267 = arith.constant 2 : i32
      %dma_wait3A_268 = arith.constant 0 : i32
      %dma_wait3A_269 = arith.constant 0 : i32
      %dma_wait3A_270 = tpu.memref_slice %arg5[%dma_wait3A_267, %dma_wait3A_268, %dma_wait3A_269] : memref<4x4x1024xf32, #tpu.memory_space<vmem>> -> memref<1x4x1024xf32, #tpu.memory_space<vmem>>
      %dma_wait3A_271 = tpu.memref_squeeze %dma_wait3A_270 : memref<1x4x1024xf32, #tpu.memory_space<vmem>> -> memref<4x1024xf32, #tpu.memory_space<vmem>>
      %dma_wait3A_272 = arith.constant 0 : i32
      %dma_wait3A_273 = tpu.memref_slice %arg3[%add3A_266, %dma_wait3A_272] : memref<8192x1024xf32, #tpu.memory_space<hbm>> -> memref<4x1024xf32, #tpu.memory_space<hbm>>
      %dma_wait3A_274 = arith.constant 0 : i32
      %dma_wait3A_275 = arith.constant 0 : i32
      %dma_wait3A_276 = tpu.memref_slice %arg5[%dma_wait3A_267, %dma_wait3A_274, %dma_wait3A_275] : memref<4x4x1024xf32, #tpu.memory_space<vmem>> -> memref<1x4x1024xf32, #tpu.memory_space<vmem>>
      %dma_wait3A_277 = tpu.memref_squeeze %dma_wait3A_276 : memref<1x4x1024xf32, #tpu.memory_space<vmem>> -> memref<4x1024xf32, #tpu.memory_space<vmem>>
      %dma_wait3A_278 = arith.constant 0 : i32
      %dma_wait3A_279 = tpu.memref_slice %arg3[%add3A_266, %dma_wait3A_278] : memref<8192x1024xf32, #tpu.memory_space<hbm>> -> memref<4x1024xf32, #tpu.memory_space<hbm>>
      tpu.wait_dma2 semaphore(%arg10 : memref<!tpu.dma_semaphore, #tpu.memory_space<semaphore_mem>>) src(%dma_wait3A_279 : memref<4x1024xf32, #tpu.memory_space<hbm>>) dst(%dma_wait3A_277 : memref<4x1024xf32, #tpu.memory_space<vmem>>)
      %dma_wait3A_280 = arith.constant 2 : i32
      %dma_wait3A_281 = arith.constant 0 : i32
      %dma_wait3A_282 = arith.constant 0 : i32
      %dma_wait3A_283 = arith.constant 0 : i32
      %dma_wait3A_284 = tpu.memref_slice %arg6[%dma_wait3A_280, %dma_wait3A_281, %dma_wait3A_282, %dma_wait3A_283] : memref<4x4x4x1024xf32, #tpu.memory_space<vmem>> -> memref<1x4x4x1024xf32, #tpu.memory_space<vmem>>
      %dma_wait3A_285 = tpu.memref_squeeze %dma_wait3A_284 : memref<1x4x4x1024xf32, #tpu.memory_space<vmem>> -> memref<4x4x1024xf32, #tpu.memory_space<vmem>>
      %dma_wait3A_286 = arith.constant 0 : i32
      %dma_wait3A_287 = arith.constant 0 : i32
      %dma_wait3A_288 = tpu.memref_slice %arg2[%dma_wait3A_286, %add3A_266, %dma_wait3A_287] : memref<4x8192x1024xf32, #tpu.memory_space<hbm>> -> memref<4x4x1024xf32, #tpu.memory_space<hbm>>
      %dma_wait3A_289 = arith.constant 0 : i32
      %dma_wait3A_290 = arith.constant 0 : i32
      %dma_wait3A_291 = arith.constant 0 : i32
      %dma_wait3A_292 = tpu.memref_slice %arg6[%dma_wait3A_280, %dma_wait3A_289, %dma_wait3A_290, %dma_wait3A_291] : memref<4x4x4x1024xf32, #tpu.memory_space<vmem>> -> memref<1x4x4x1024xf32, #tpu.memory_space<vmem>>
      %dma_wait3A_293 = tpu.memref_squeeze %dma_wait3A_292 : memref<1x4x4x1024xf32, #tpu.memory_space<vmem>> -> memref<4x4x1024xf32, #tpu.memory_space<vmem>>
      %dma_wait3A_294 = arith.constant 0 : i32
      %dma_wait3A_295 = arith.constant 0 : i32
      %dma_wait3A_296 = tpu.memref_slice %arg2[%dma_wait3A_294, %add3A_266, %dma_wait3A_295] : memref<4x8192x1024xf32, #tpu.memory_space<hbm>> -> memref<4x4x1024xf32, #tpu.memory_space<hbm>>
      tpu.wait_dma2 semaphore(%arg10 : memref<!tpu.dma_semaphore, #tpu.memory_space<semaphore_mem>>) src(%dma_wait3A_296 : memref<4x4x1024xf32, #tpu.memory_space<hbm>>) dst(%dma_wait3A_293 : memref<4x4x1024xf32, #tpu.memory_space<vmem>>)
      %parallel_loop3A_297 = arith.constant 0 : i32
      %parallel_loop3A_298 = arith.constant 256 : i32
      %parallel_loop3A_299 = arith.constant 1 : i32
      scf.for %parallel_loop3A_392 = %parallel_loop3A_297 to %parallel_loop3A_298 step %parallel_loop3A_299  : i32 {
        %parallel_loop3A_393 = arith.constant 6 : i32
        %parallel_loop3A_394 = arith.shrui %parallel_loop3A_392, %parallel_loop3A_393 : i32
        %parallel_loop3A_395 = arith.constant 63 : i32
        %parallel_loop3A_396 = arith.andi %parallel_loop3A_392, %parallel_loop3A_395 : i32
        %parallel_loop3A_397 = arith.constant 4 : i32
        %parallel_loop3A_398 = arith.shli %parallel_loop3A_396, %parallel_loop3A_397 : i32
        %parallel_loop3A_399 = tpu.assume_multiple %parallel_loop3A_398, 16 : i32
        %parallel_loop3A_400 = arith.constant 2 : i32
        %parallel_loop3A_401 = arith.index_cast %parallel_loop3A_400 : i32 to index
        %parallel_loop3A_402 = arith.index_cast %parallel_loop3A_394 : i32 to index
        %parallel_loop3A_403 = arith.index_cast %parallel_loop3A_399 : i32 to index
        %parallel_loop3A_404 = tpu.vector_load %arg5[%parallel_loop3A_401, %parallel_loop3A_402, %parallel_loop3A_403] {strides = array<i32>} : memref<4x4x1024xf32, #tpu.memory_space<vmem>>, vector<1x1x16xf32>,
        %parallel_loop3A_405 = vector.shape_cast %parallel_loop3A_404 : vector<1x1x16xf32> to vector<16xf32>
        %parallel_loop3A_406 = arith.constant 2 : i32
        %parallel_loop3A_407 = arith.constant 0 : i32
        %parallel_loop3A_408 = arith.index_cast %parallel_loop3A_406 : i32 to index
        %parallel_loop3A_409 = arith.index_cast %parallel_loop3A_407 : i32 to index
        %parallel_loop3A_410 = arith.index_cast %parallel_loop3A_394 : i32 to index
        %parallel_loop3A_411 = arith.index_cast %parallel_loop3A_399 : i32 to index
        %parallel_loop3A_412 = tpu.vector_load %arg6[%parallel_loop3A_408, %parallel_loop3A_409, %parallel_loop3A_410, %parallel_loop3A_411] {strides = array<i32>} : memref<4x4x4x1024xf32, #tpu.memory_space<vmem>>, vector<1x1x1x16xf32>,
        %parallel_loop3A_413 = vector.shape_cast %parallel_loop3A_412 : vector<1x1x1x16xf32> to vector<16xf32>
        %parallel_loop3A_414 = arith.addf %parallel_loop3A_413, %parallel_loop3A_405 : vector<16xf32>
        %parallel_loop3A_415 = arith.constant 0 : i32
        %parallel_loop3A_416 = arith.constant 0 : i32
        %parallel_loop3A_417 = arith.index_cast %parallel_loop3A_415 : i32 to index
        %parallel_loop3A_418 = arith.index_cast %parallel_loop3A_416 : i32 to index
        %parallel_loop3A_419 = arith.index_cast %parallel_loop3A_394 : i32 to index
        %parallel_loop3A_420 = arith.index_cast %parallel_loop3A_399 : i32 to index
        %parallel_loop3A_421 = tpu.vector_load %arg7[%parallel_loop3A_417, %parallel_loop3A_418, %parallel_loop3A_419, %parallel_loop3A_420] {strides = array<i32>} : memref<2x4x4x1024xf32, #tpu.memory_space<vmem>>, vector<1x1x1x16xf32>,
        %parallel_loop3A_422 = vector.shape_cast %parallel_loop3A_421 : vector<1x1x1x16xf32> to vector<16xf32>
        %parallel_loop3A_423 = vector.shape_cast %parallel_loop3A_414 : vector<16xf32> to vector<1x1x1x16xf32>
        tpu.vector_store %arg7[%parallel_loop3A_417, %parallel_loop3A_418, %parallel_loop3A_419, %parallel_loop3A_420], %parallel_loop3A_423 {strides = array<i32>} : memref<2x4x4x1024xf32, #tpu.memory_space<vmem>>, vector<1x1x1x16xf32>,
        %parallel_loop3A_424 = arith.constant 2 : i32
        %parallel_loop3A_425 = arith.constant 1 : i32
        %parallel_loop3A_426 = arith.index_cast %parallel_loop3A_424 : i32 to index
        %parallel_loop3A_427 = arith.index_cast %parallel_loop3A_425 : i32 to index
        %parallel_loop3A_428 = arith.index_cast %parallel_loop3A_394 : i32 to index
        %parallel_loop3A_429 = arith.index_cast %parallel_loop3A_399 : i32 to index
        %parallel_loop3A_430 = tpu.vector_load %arg6[%parallel_loop3A_426, %parallel_loop3A_427, %parallel_loop3A_428, %parallel_loop3A_429] {strides = array<i32>} : memref<4x4x4x1024xf32, #tpu.memory_space<vmem>>, vector<1x1x1x16xf32>,
        %parallel_loop3A_431 = vector.shape_cast %parallel_loop3A_430 : vector<1x1x1x16xf32> to vector<16xf32>
        %parallel_loop3A_432 = arith.addf %parallel_loop3A_431, %parallel_loop3A_405 : vector<16xf32>
        %parallel_loop3A_433 = arith.constant 0 : i32
        %parallel_loop3A_434 = arith.constant 1 : i32
        %parallel_loop3A_435 = arith.index_cast %parallel_loop3A_433 : i32 to index
        %parallel_loop3A_436 = arith.index_cast %parallel_loop3A_434 : i32 to index
        %parallel_loop3A_437 = arith.index_cast %parallel_loop3A_394 : i32 to index
        %parallel_loop3A_438 = arith.index_cast %parallel_loop3A_399 : i32 to index
        %parallel_loop3A_439 = tpu.vector_load %arg7[%parallel_loop3A_435, %parallel_loop3A_436, %parallel_loop3A_437, %parallel_loop3A_438] {strides = array<i32>} : memref<2x4x4x1024xf32, #tpu.memory_space<vmem>>, vector<1x1x1x16xf32>,
        %parallel_loop3A_440 = vector.shape_cast %parallel_loop3A_439 : vector<1x1x1x16xf32> to vector<16xf32>
        %parallel_loop3A_441 = vector.shape_cast %parallel_loop3A_432 : vector<16xf32> to vector<1x1x1x16xf32>
        tpu.vector_store %arg7[%parallel_loop3A_435, %parallel_loop3A_436, %parallel_loop3A_437, %parallel_loop3A_438], %parallel_loop3A_441 {strides = array<i32>} : memref<2x4x4x1024xf32, #tpu.memory_space<vmem>>, vector<1x1x1x16xf32>,
        %parallel_loop3A_442 = arith.constant 2 : i32
        %parallel_loop3A_443 = arith.constant 2 : i32
        %parallel_loop3A_444 = arith.index_cast %parallel_loop3A_442 : i32 to index
        %parallel_loop3A_445 = arith.index_cast %parallel_loop3A_443 : i32 to index
        %parallel_loop3A_446 = arith.index_cast %parallel_loop3A_394 : i32 to index
        %parallel_loop3A_447 = arith.index_cast %parallel_loop3A_399 : i32 to index
        %parallel_loop3A_448 = tpu.vector_load %arg6[%parallel_loop3A_444, %parallel_loop3A_445, %parallel_loop3A_446, %parallel_loop3A_447] {strides = array<i32>} : memref<4x4x4x1024xf32, #tpu.memory_space<vmem>>, vector<1x1x1x16xf32>,
        %parallel_loop3A_449 = vector.shape_cast %parallel_loop3A_448 : vector<1x1x1x16xf32> to vector<16xf32>
        %parallel_loop3A_450 = arith.addf %parallel_loop3A_449, %parallel_loop3A_405 : vector<16xf32>
        %parallel_loop3A_451 = arith.constant 0 : i32
        %parallel_loop3A_452 = arith.constant 2 : i32
        %parallel_loop3A_453 = arith.index_cast %parallel_loop3A_451 : i32 to index
        %parallel_loop3A_454 = arith.index_cast %parallel_loop3A_452 : i32 to index
        %parallel_loop3A_455 = arith.index_cast %parallel_loop3A_394 : i32 to index
        %parallel_loop3A_456 = arith.index_cast %parallel_loop3A_399 : i32 to index
        %parallel_loop3A_457 = tpu.vector_load %arg7[%parallel_loop3A_453, %parallel_loop3A_454, %parallel_loop3A_455, %parallel_loop3A_456] {strides = array<i32>} : memref<2x4x4x1024xf32, #tpu.memory_space<vmem>>, vector<1x1x1x16xf32>,
        %parallel_loop3A_458 = vector.shape_cast %parallel_loop3A_457 : vector<1x1x1x16xf32> to vector<16xf32>
        %parallel_loop3A_459 = vector.shape_cast %parallel_loop3A_450 : vector<16xf32> to vector<1x1x1x16xf32>
        tpu.vector_store %arg7[%parallel_loop3A_453, %parallel_loop3A_454, %parallel_loop3A_455, %parallel_loop3A_456], %parallel_loop3A_459 {strides = array<i32>} : memref<2x4x4x1024xf32, #tpu.memory_space<vmem>>, vector<1x1x1x16xf32>,
        %parallel_loop3A_460 = arith.constant 2 : i32
        %parallel_loop3A_461 = arith.constant 3 : i32
        %parallel_loop3A_462 = arith.index_cast %parallel_loop3A_460 : i32 to index
        %parallel_loop3A_463 = arith.index_cast %parallel_loop3A_461 : i32 to index
        %parallel_loop3A_464 = arith.index_cast %parallel_loop3A_394 : i32 to index
        %parallel_loop3A_465 = arith.index_cast %parallel_loop3A_399 : i32 to index
        %parallel_loop3A_466 = tpu.vector_load %arg6[%parallel_loop3A_462, %parallel_loop3A_463, %parallel_loop3A_464, %parallel_loop3A_465] {strides = array<i32>} : memref<4x4x4x1024xf32, #tpu.memory_space<vmem>>, vector<1x1x1x16xf32>,
        %parallel_loop3A_467 = vector.shape_cast %parallel_loop3A_466 : vector<1x1x1x16xf32> to vector<16xf32>
        %parallel_loop3A_468 = arith.addf %parallel_loop3A_467, %parallel_loop3A_405 : vector<16xf32>
        %parallel_loop3A_469 = arith.constant 0 : i32
        %parallel_loop3A_470 = arith.constant 3 : i32
        %parallel_loop3A_471 = arith.index_cast %parallel_loop3A_469 : i32 to index
        %parallel_loop3A_472 = arith.index_cast %parallel_loop3A_470 : i32 to index
        %parallel_loop3A_473 = arith.index_cast %parallel_loop3A_394 : i32 to index
        %parallel_loop3A_474 = arith.index_cast %parallel_loop3A_399 : i32 to index
        %parallel_loop3A_475 = tpu.vector_load %arg7[%parallel_loop3A_471, %parallel_loop3A_472, %parallel_loop3A_473, %parallel_loop3A_474] {strides = array<i32>} : memref<2x4x4x1024xf32, #tpu.memory_space<vmem>>, vector<1x1x1x16xf32>,
        %parallel_loop3A_476 = vector.shape_cast %parallel_loop3A_475 : vector<1x1x1x16xf32> to vector<16xf32>
        %parallel_loop3A_477 = vector.shape_cast %parallel_loop3A_468 : vector<16xf32> to vector<1x1x1x16xf32>
        tpu.vector_store %arg7[%parallel_loop3A_471, %parallel_loop3A_472, %parallel_loop3A_473, %parallel_loop3A_474], %parallel_loop3A_477 {strides = array<i32>} : memref<2x4x4x1024xf32, #tpu.memory_space<vmem>>, vector<1x1x1x16xf32>,
      } {sc.loop_unroll_factor = 8 : i64, sc.parallel_access}
      %mul3A_300 = arith.constant 4 : i32
      %mul3A_301 = arith.muli %add3A_251, %mul3A_300 : i32
      %add3A_302 = arith.addi %mul3A_2, %mul3A_301 : i32
      %dma_start3A_303 = arith.constant 0 : i32
      %dma_start3A_304 = arith.constant 0 : i32
      %dma_start3A_305 = arith.constant 0 : i32
      %dma_start3A_306 = arith.constant 0 : i32
      %dma_start3A_307 = tpu.memref_slice %arg7[%dma_start3A_303, %dma_start3A_304, %dma_start3A_305, %dma_start3A_306] : memref<2x4x4x1024xf32, #tpu.memory_space<vmem>> -> memref<1x4x4x1024xf32, #tpu.memory_space<vmem>>
      %dma_start3A_308 = tpu.memref_squeeze %dma_start3A_307 : memref<1x4x4x1024xf32, #tpu.memory_space<vmem>> -> memref<4x4x1024xf32, #tpu.memory_space<vmem>>
      %dma_start3A_309 = arith.constant 0 : i32
      %dma_start3A_310 = arith.constant 0 : i32
      %dma_start3A_311 = tpu.memref_slice %arg4[%dma_start3A_309, %add3A_302, %dma_start3A_310] : memref<4x8192x1024xf32, #tpu.memory_space<hbm>> -> memref<4x4x1024xf32, #tpu.memory_space<hbm>>
      %dma_start3A_312 = arith.constant 0 : i32
      %dma_start3A_313 = arith.constant 0 : i32
      %dma_start3A_314 = tpu.memref_slice %arg4[%dma_start3A_312, %add3A_302, %dma_start3A_313] : memref<4x8192x1024xf32, #tpu.memory_space<hbm>> -> memref<4x4x1024xf32, #tpu.memory_space<hbm>>
      %dma_start3A_315 = arith.constant 0 : i32
      %dma_start3A_316 = arith.constant 0 : i32
      %dma_start3A_317 = arith.constant 0 : i32
      %dma_start3A_318 = tpu.memref_slice %arg7[%dma_start3A_303, %dma_start3A_315, %dma_start3A_316, %dma_start3A_317] : memref<2x4x4x1024xf32, #tpu.memory_space<vmem>> -> memref<1x4x4x1024xf32, #tpu.memory_space<vmem>>
      %dma_start3A_319 = tpu.memref_squeeze %dma_start3A_318 : memref<1x4x4x1024xf32, #tpu.memory_space<vmem>> -> memref<4x4x1024xf32, #tpu.memory_space<vmem>>
      tpu.enqueue_dma source(%dma_start3A_319 : memref<4x4x1024xf32, #tpu.memory_space<vmem>>) target(%dma_start3A_314 : memref<4x4x1024xf32, #tpu.memory_space<hbm>>) target_semaphore(%arg12 : memref<!tpu.dma_semaphore, #tpu.memory_space<semaphore_mem>>)
      %mul3A_320 = arith.constant 4 : i32
      %mul3A_321 = arith.muli %scan3A_108, %mul3A_320 : i32
      %add3A_322 = arith.constant 3 : i32
      %add3A_323 = arith.addi %mul3A_321, %add3A_322 : i32
      %add3A_324 = arith.constant 2 : i32
      %add3A_325 = arith.addi %add3A_323, %add3A_324 : i32
      %lt3A_326 = arith.constant 64 : i32
      %lt3A_327 = arith.cmpi slt, %add3A_325, %lt3A_326 : i32
      %convert_element_type3A_328 = arith.extui %lt3A_327 : i1 to i32
      %cond3A_329 = arith.constant 0 : i32
      %cond3A_330 = arith.cmpi ne, %convert_element_type3A_328, %cond3A_329 : i32
      scf.if %cond3A_330 {
        %add3A_392 = arith.constant 2 : i32
        %add3A_393 = arith.addi %add3A_323, %add3A_392 : i32
        %mul3A_394 = arith.constant 4 : i32
        %mul3A_395 = arith.muli %add3A_393, %mul3A_394 : i32
        %add3A_396 = arith.addi %mul3A_2, %mul3A_395 : i32
        %dma_start3A_397 = arith.constant 1 : i32
        %dma_start3A_398 = arith.constant 0 : i32
        %dma_start3A_399 = arith.constant 0 : i32
        %dma_start3A_400 = tpu.memref_slice %arg5[%dma_start3A_397, %dma_start3A_398, %dma_start3A_399] : memref<4x4x1024xf32, #tpu.memory_space<vmem>> -> memref<1x4x1024xf32, #tpu.memory_space<vmem>>
        %dma_start3A_401 = tpu.memref_squeeze %dma_start3A_400 : memref<1x4x1024xf32, #tpu.memory_space<vmem>> -> memref<4x1024xf32, #tpu.memory_space<vmem>>
        %dma_start3A_402 = arith.constant 0 : i32
        %dma_start3A_403 = tpu.memref_slice %arg3[%add3A_396, %dma_start3A_402] : memref<8192x1024xf32, #tpu.memory_space<hbm>> -> memref<4x1024xf32, #tpu.memory_space<hbm>>
        %dma_start3A_404 = arith.constant 0 : i32
        %dma_start3A_405 = arith.constant 0 : i32
        %dma_start3A_406 = tpu.memref_slice %arg5[%dma_start3A_397, %dma_start3A_404, %dma_start3A_405] : memref<4x4x1024xf32, #tpu.memory_space<vmem>> -> memref<1x4x1024xf32, #tpu.memory_space<vmem>>
        %dma_start3A_407 = tpu.memref_squeeze %dma_start3A_406 : memref<1x4x1024xf32, #tpu.memory_space<vmem>> -> memref<4x1024xf32, #tpu.memory_space<vmem>>
        %dma_start3A_408 = arith.constant 0 : i32
        %dma_start3A_409 = tpu.memref_slice %arg3[%add3A_396, %dma_start3A_408] : memref<8192x1024xf32, #tpu.memory_space<hbm>> -> memref<4x1024xf32, #tpu.memory_space<hbm>>
        tpu.enqueue_dma source(%dma_start3A_409 : memref<4x1024xf32, #tpu.memory_space<hbm>>) target(%dma_start3A_407 : memref<4x1024xf32, #tpu.memory_space<vmem>>) target_semaphore(%arg9 : memref<!tpu.dma_semaphore, #tpu.memory_space<semaphore_mem>>)
        %dma_start3A_410 = arith.constant 1 : i32
        %dma_start3A_411 = arith.constant 0 : i32
        %dma_start3A_412 = arith.constant 0 : i32
        %dma_start3A_413 = arith.constant 0 : i32
        %dma_start3A_414 = tpu.memref_slice %arg6[%dma_start3A_410, %dma_start3A_411, %dma_start3A_412, %dma_start3A_413] : memref<4x4x4x1024xf32, #tpu.memory_space<vmem>> -> memref<1x4x4x1024xf32, #tpu.memory_space<vmem>>
        %dma_start3A_415 = tpu.memref_squeeze %dma_start3A_414 : memref<1x4x4x1024xf32, #tpu.memory_space<vmem>> -> memref<4x4x1024xf32, #tpu.memory_space<vmem>>
        %dma_start3A_416 = arith.constant 0 : i32
        %dma_start3A_417 = arith.constant 0 : i32
        %dma_start3A_418 = tpu.memref_slice %arg2[%dma_start3A_416, %add3A_396, %dma_start3A_417] : memref<4x8192x1024xf32, #tpu.memory_space<hbm>> -> memref<4x4x1024xf32, #tpu.memory_space<hbm>>
        %dma_start3A_419 = arith.constant 0 : i32
        %dma_start3A_420 = arith.constant 0 : i32
        %dma_start3A_421 = arith.constant 0 : i32
        %dma_start3A_422 = tpu.memref_slice %arg6[%dma_start3A_410, %dma_start3A_419, %dma_start3A_420, %dma_start3A_421] : memref<4x4x4x1024xf32, #tpu.memory_space<vmem>> -> memref<1x4x4x1024xf32, #tpu.memory_space<vmem>>
        %dma_start3A_423 = tpu.memref_squeeze %dma_start3A_422 : memref<1x4x4x1024xf32, #tpu.memory_space<vmem>> -> memref<4x4x1024xf32, #tpu.memory_space<vmem>>
        %dma_start3A_424 = arith.constant 0 : i32
        %dma_start3A_425 = arith.constant 0 : i32
        %dma_start3A_426 = tpu.memref_slice %arg2[%dma_start3A_424, %add3A_396, %dma_start3A_425] : memref<4x8192x1024xf32, #tpu.memory_space<hbm>> -> memref<4x4x1024xf32, #tpu.memory_space<hbm>>
        tpu.enqueue_dma source(%dma_start3A_426 : memref<4x4x1024xf32, #tpu.memory_space<hbm>>) target(%dma_start3A_423 : memref<4x4x1024xf32, #tpu.memory_space<vmem>>) target_semaphore(%arg9 : memref<!tpu.dma_semaphore, #tpu.memory_space<semaphore_mem>>)
      } else {
      }
      %ge3A_331 = arith.constant 2 : i32
      %ge3A_332 = arith.cmpi sge, %add3A_323, %ge3A_331 : i32
      %convert_element_type3A_333 = arith.extui %ge3A_332 : i1 to i32
      %cond3A_334 = arith.constant 0 : i32
      %cond3A_335 = arith.cmpi ne, %convert_element_type3A_333, %cond3A_334 : i32
      scf.if %cond3A_335 {
        %sub3A = arith.constant 2 : i32
        %sub3A_392 = arith.subi %add3A_323, %sub3A : i32
        %mul3A_393 = arith.constant 4 : i32
        %mul3A_394 = arith.muli %sub3A_392, %mul3A_393 : i32
        %add3A_395 = arith.addi %mul3A_2, %mul3A_394 : i32
        %dma_wait3A_396 = arith.constant 1 : i32
        %dma_wait3A_397 = arith.constant 0 : i32
        %dma_wait3A_398 = arith.constant 0 : i32
        %dma_wait3A_399 = arith.constant 0 : i32
        %dma_wait3A_400 = tpu.memref_slice %arg7[%dma_wait3A_396, %dma_wait3A_397, %dma_wait3A_398, %dma_wait3A_399] : memref<2x4x4x1024xf32, #tpu.memory_space<vmem>> -> memref<1x4x4x1024xf32, #tpu.memory_space<vmem>>
        %dma_wait3A_401 = tpu.memref_squeeze %dma_wait3A_400 : memref<1x4x4x1024xf32, #tpu.memory_space<vmem>> -> memref<4x4x1024xf32, #tpu.memory_space<vmem>>
        %dma_wait3A_402 = arith.constant 0 : i32
        %dma_wait3A_403 = arith.constant 0 : i32
        %dma_wait3A_404 = tpu.memref_slice %arg4[%dma_wait3A_402, %add3A_395, %dma_wait3A_403] : memref<4x8192x1024xf32, #tpu.memory_space<hbm>> -> memref<4x4x1024xf32, #tpu.memory_space<hbm>>
        %dma_wait3A_405 = arith.constant 0 : i32
        %dma_wait3A_406 = arith.constant 0 : i32
        %dma_wait3A_407 = tpu.memref_slice %arg4[%dma_wait3A_405, %add3A_395, %dma_wait3A_406] : memref<4x8192x1024xf32, #tpu.memory_space<hbm>> -> memref<4x4x1024xf32, #tpu.memory_space<hbm>>
        %dma_wait3A_408 = arith.constant 0 : i32
        %dma_wait3A_409 = arith.constant 0 : i32
        %dma_wait3A_410 = arith.constant 0 : i32
        %dma_wait3A_411 = tpu.memref_slice %arg7[%dma_wait3A_396, %dma_wait3A_408, %dma_wait3A_409, %dma_wait3A_410] : memref<2x4x4x1024xf32, #tpu.memory_space<vmem>> -> memref<1x4x4x1024xf32, #tpu.memory_space<vmem>>
        %dma_wait3A_412 = tpu.memref_squeeze %dma_wait3A_411 : memref<1x4x4x1024xf32, #tpu.memory_space<vmem>> -> memref<4x4x1024xf32, #tpu.memory_space<vmem>>
        tpu.wait_dma2 semaphore(%arg13 : memref<!tpu.dma_semaphore, #tpu.memory_space<semaphore_mem>>) src(%dma_wait3A_412 : memref<4x4x1024xf32, #tpu.memory_space<vmem>>) dst(%dma_wait3A_407 : memref<4x4x1024xf32, #tpu.memory_space<hbm>>)
      } else {
      }
      %mul3A_336 = arith.constant 4 : i32
      %mul3A_337 = arith.muli %add3A_323, %mul3A_336 : i32
      %add3A_338 = arith.addi %mul3A_2, %mul3A_337 : i32
      %dma_wait3A_339 = arith.constant 3 : i32
      %dma_wait3A_340 = arith.constant 0 : i32
      %dma_wait3A_341 = arith.constant 0 : i32
      %dma_wait3A_342 = tpu.memref_slice %arg5[%dma_wait3A_339, %dma_wait3A_340, %dma_wait3A_341] : memref<4x4x1024xf32, #tpu.memory_space<vmem>> -> memref<1x4x1024xf32, #tpu.memory_space<vmem>>
      %dma_wait3A_343 = tpu.memref_squeeze %dma_wait3A_342 : memref<1x4x1024xf32, #tpu.memory_space<vmem>> -> memref<4x1024xf32, #tpu.memory_space<vmem>>
      %dma_wait3A_344 = arith.constant 0 : i32
      %dma_wait3A_345 = tpu.memref_slice %arg3[%add3A_338, %dma_wait3A_344] : memref<8192x1024xf32, #tpu.memory_space<hbm>> -> memref<4x1024xf32, #tpu.memory_space<hbm>>
      %dma_wait3A_346 = arith.constant 0 : i32
      %dma_wait3A_347 = arith.constant 0 : i32
      %dma_wait3A_348 = tpu.memref_slice %arg5[%dma_wait3A_339, %dma_wait3A_346, %dma_wait3A_347] : memref<4x4x1024xf32, #tpu.memory_space<vmem>> -> memref<1x4x1024xf32, #tpu.memory_space<vmem>>
      %dma_wait3A_349 = tpu.memref_squeeze %dma_wait3A_348 : memref<1x4x1024xf32, #tpu.memory_space<vmem>> -> memref<4x1024xf32, #tpu.memory_space<vmem>>
      %dma_wait3A_350 = arith.constant 0 : i32
      %dma_wait3A_351 = tpu.memref_slice %arg3[%add3A_338, %dma_wait3A_350] : memref<8192x1024xf32, #tpu.memory_space<hbm>> -> memref<4x1024xf32, #tpu.memory_space<hbm>>
      tpu.wait_dma2 semaphore(%arg11 : memref<!tpu.dma_semaphore, #tpu.memory_space<semaphore_mem>>) src(%dma_wait3A_351 : memref<4x1024xf32, #tpu.memory_space<hbm>>) dst(%dma_wait3A_349 : memref<4x1024xf32, #tpu.memory_space<vmem>>)
      %dma_wait3A_352 = arith.constant 3 : i32
      %dma_wait3A_353 = arith.constant 0 : i32
      %dma_wait3A_354 = arith.constant 0 : i32
      %dma_wait3A_355 = arith.constant 0 : i32
      %dma_wait3A_356 = tpu.memref_slice %arg6[%dma_wait3A_352, %dma_wait3A_353, %dma_wait3A_354, %dma_wait3A_355] : memref<4x4x4x1024xf32, #tpu.memory_space<vmem>> -> memref<1x4x4x1024xf32, #tpu.memory_space<vmem>>
      %dma_wait3A_357 = tpu.memref_squeeze %dma_wait3A_356 : memref<1x4x4x1024xf32, #tpu.memory_space<vmem>> -> memref<4x4x1024xf32, #tpu.memory_space<vmem>>
      %dma_wait3A_358 = arith.constant 0 : i32
      %dma_wait3A_359 = arith.constant 0 : i32
      %dma_wait3A_360 = tpu.memref_slice %arg2[%dma_wait3A_358, %add3A_338, %dma_wait3A_359] : memref<4x8192x1024xf32, #tpu.memory_space<hbm>> -> memref<4x4x1024xf32, #tpu.memory_space<hbm>>
      %dma_wait3A_361 = arith.constant 0 : i32
      %dma_wait3A_362 = arith.constant 0 : i32
      %dma_wait3A_363 = arith.constant 0 : i32
      %dma_wait3A_364 = tpu.memref_slice %arg6[%dma_wait3A_352, %dma_wait3A_361, %dma_wait3A_362, %dma_wait3A_363] : memref<4x4x4x1024xf32, #tpu.memory_space<vmem>> -> memref<1x4x4x1024xf32, #tpu.memory_space<vmem>>
      %dma_wait3A_365 = tpu.memref_squeeze %dma_wait3A_364 : memref<1x4x4x1024xf32, #tpu.memory_space<vmem>> -> memref<4x4x1024xf32, #tpu.memory_space<vmem>>
      %dma_wait3A_366 = arith.constant 0 : i32
      %dma_wait3A_367 = arith.constant 0 : i32
      %dma_wait3A_368 = tpu.memref_slice %arg2[%dma_wait3A_366, %add3A_338, %dma_wait3A_367] : memref<4x8192x1024xf32, #tpu.memory_space<hbm>> -> memref<4x4x1024xf32, #tpu.memory_space<hbm>>
      tpu.wait_dma2 semaphore(%arg11 : memref<!tpu.dma_semaphore, #tpu.memory_space<semaphore_mem>>) src(%dma_wait3A_368 : memref<4x4x1024xf32, #tpu.memory_space<hbm>>) dst(%dma_wait3A_365 : memref<4x4x1024xf32, #tpu.memory_space<vmem>>)
      %parallel_loop3A_369 = arith.constant 0 : i32
      %parallel_loop3A_370 = arith.constant 256 : i32
      %parallel_loop3A_371 = arith.constant 1 : i32
      scf.for %parallel_loop3A_392 = %parallel_loop3A_369 to %parallel_loop3A_370 step %parallel_loop3A_371  : i32 {
        %parallel_loop3A_393 = arith.constant 6 : i32
        %parallel_loop3A_394 = arith.shrui %parallel_loop3A_392, %parallel_loop3A_393 : i32
        %parallel_loop3A_395 = arith.constant 63 : i32
        %parallel_loop3A_396 = arith.andi %parallel_loop3A_392, %parallel_loop3A_395 : i32
        %parallel_loop3A_397 = arith.constant 4 : i32
        %parallel_loop3A_398 = arith.shli %parallel_loop3A_396, %parallel_loop3A_397 : i32
        %parallel_loop3A_399 = tpu.assume_multiple %parallel_loop3A_398, 16 : i32
        %parallel_loop3A_400 = arith.constant 3 : i32
        %parallel_loop3A_401 = arith.index_cast %parallel_loop3A_400 : i32 to index
        %parallel_loop3A_402 = arith.index_cast %parallel_loop3A_394 : i32 to index
        %parallel_loop3A_403 = arith.index_cast %parallel_loop3A_399 : i32 to index
        %parallel_loop3A_404 = tpu.vector_load %arg5[%parallel_loop3A_401, %parallel_loop3A_402, %parallel_loop3A_403] {strides = array<i32>} : memref<4x4x1024xf32, #tpu.memory_space<vmem>>, vector<1x1x16xf32>,
        %parallel_loop3A_405 = vector.shape_cast %parallel_loop3A_404 : vector<1x1x16xf32> to vector<16xf32>
        %parallel_loop3A_406 = arith.constant 3 : i32
        %parallel_loop3A_407 = arith.constant 0 : i32
        %parallel_loop3A_408 = arith.index_cast %parallel_loop3A_406 : i32 to index
        %parallel_loop3A_409 = arith.index_cast %parallel_loop3A_407 : i32 to index
        %parallel_loop3A_410 = arith.index_cast %parallel_loop3A_394 : i32 to index
        %parallel_loop3A_411 = arith.index_cast %parallel_loop3A_399 : i32 to index
        %parallel_loop3A_412 = tpu.vector_load %arg6[%parallel_loop3A_408, %parallel_loop3A_409, %parallel_loop3A_410, %parallel_loop3A_411] {strides = array<i32>} : memref<4x4x4x1024xf32, #tpu.memory_space<vmem>>, vector<1x1x1x16xf32>,
        %parallel_loop3A_413 = vector.shape_cast %parallel_loop3A_412 : vector<1x1x1x16xf32> to vector<16xf32>
        %parallel_loop3A_414 = arith.addf %parallel_loop3A_413, %parallel_loop3A_405 : vector<16xf32>
        %parallel_loop3A_415 = arith.constant 1 : i32
        %parallel_loop3A_416 = arith.constant 0 : i32
        %parallel_loop3A_417 = arith.index_cast %parallel_loop3A_415 : i32 to index
        %parallel_loop3A_418 = arith.index_cast %parallel_loop3A_416 : i32 to index
        %parallel_loop3A_419 = arith.index_cast %parallel_loop3A_394 : i32 to index
        %parallel_loop3A_420 = arith.index_cast %parallel_loop3A_399 : i32 to index
        %parallel_loop3A_421 = tpu.vector_load %arg7[%parallel_loop3A_417, %parallel_loop3A_418, %parallel_loop3A_419, %parallel_loop3A_420] {strides = array<i32>} : memref<2x4x4x1024xf32, #tpu.memory_space<vmem>>, vector<1x1x1x16xf32>,
        %parallel_loop3A_422 = vector.shape_cast %parallel_loop3A_421 : vector<1x1x1x16xf32> to vector<16xf32>
        %parallel_loop3A_423 = vector.shape_cast %parallel_loop3A_414 : vector<16xf32> to vector<1x1x1x16xf32>
        tpu.vector_store %arg7[%parallel_loop3A_417, %parallel_loop3A_418, %parallel_loop3A_419, %parallel_loop3A_420], %parallel_loop3A_423 {strides = array<i32>} : memref<2x4x4x1024xf32, #tpu.memory_space<vmem>>, vector<1x1x1x16xf32>,
        %parallel_loop3A_424 = arith.constant 3 : i32
        %parallel_loop3A_425 = arith.constant 1 : i32
        %parallel_loop3A_426 = arith.index_cast %parallel_loop3A_424 : i32 to index
        %parallel_loop3A_427 = arith.index_cast %parallel_loop3A_425 : i32 to index
        %parallel_loop3A_428 = arith.index_cast %parallel_loop3A_394 : i32 to index
        %parallel_loop3A_429 = arith.index_cast %parallel_loop3A_399 : i32 to index
        %parallel_loop3A_430 = tpu.vector_load %arg6[%parallel_loop3A_426, %parallel_loop3A_427, %parallel_loop3A_428, %parallel_loop3A_429] {strides = array<i32>} : memref<4x4x4x1024xf32, #tpu.memory_space<vmem>>, vector<1x1x1x16xf32>,
        %parallel_loop3A_431 = vector.shape_cast %parallel_loop3A_430 : vector<1x1x1x16xf32> to vector<16xf32>
        %parallel_loop3A_432 = arith.addf %parallel_loop3A_431, %parallel_loop3A_405 : vector<16xf32>
        %parallel_loop3A_433 = arith.constant 1 : i32
        %parallel_loop3A_434 = arith.constant 1 : i32
        %parallel_loop3A_435 = arith.index_cast %parallel_loop3A_433 : i32 to index
        %parallel_loop3A_436 = arith.index_cast %parallel_loop3A_434 : i32 to index
        %parallel_loop3A_437 = arith.index_cast %parallel_loop3A_394 : i32 to index
        %parallel_loop3A_438 = arith.index_cast %parallel_loop3A_399 : i32 to index
        %parallel_loop3A_439 = tpu.vector_load %arg7[%parallel_loop3A_435, %parallel_loop3A_436, %parallel_loop3A_437, %parallel_loop3A_438] {strides = array<i32>} : memref<2x4x4x1024xf32, #tpu.memory_space<vmem>>, vector<1x1x1x16xf32>,
        %parallel_loop3A_440 = vector.shape_cast %parallel_loop3A_439 : vector<1x1x1x16xf32> to vector<16xf32>
        %parallel_loop3A_441 = vector.shape_cast %parallel_loop3A_432 : vector<16xf32> to vector<1x1x1x16xf32>
        tpu.vector_store %arg7[%parallel_loop3A_435, %parallel_loop3A_436, %parallel_loop3A_437, %parallel_loop3A_438], %parallel_loop3A_441 {strides = array<i32>} : memref<2x4x4x1024xf32, #tpu.memory_space<vmem>>, vector<1x1x1x16xf32>,
        %parallel_loop3A_442 = arith.constant 3 : i32
        %parallel_loop3A_443 = arith.constant 2 : i32
        %parallel_loop3A_444 = arith.index_cast %parallel_loop3A_442 : i32 to index
        %parallel_loop3A_445 = arith.index_cast %parallel_loop3A_443 : i32 to index
        %parallel_loop3A_446 = arith.index_cast %parallel_loop3A_394 : i32 to index
        %parallel_loop3A_447 = arith.index_cast %parallel_loop3A_399 : i32 to index
        %parallel_loop3A_448 = tpu.vector_load %arg6[%parallel_loop3A_444, %parallel_loop3A_445, %parallel_loop3A_446, %parallel_loop3A_447] {strides = array<i32>} : memref<4x4x4x1024xf32, #tpu.memory_space<vmem>>, vector<1x1x1x16xf32>,
        %parallel_loop3A_449 = vector.shape_cast %parallel_loop3A_448 : vector<1x1x1x16xf32> to vector<16xf32>
        %parallel_loop3A_450 = arith.addf %parallel_loop3A_449, %parallel_loop3A_405 : vector<16xf32>
        %parallel_loop3A_451 = arith.constant 1 : i32
        %parallel_loop3A_452 = arith.constant 2 : i32
        %parallel_loop3A_453 = arith.index_cast %parallel_loop3A_451 : i32 to index
        %parallel_loop3A_454 = arith.index_cast %parallel_loop3A_452 : i32 to index
        %parallel_loop3A_455 = arith.index_cast %parallel_loop3A_394 : i32 to index
        %parallel_loop3A_456 = arith.index_cast %parallel_loop3A_399 : i32 to index
        %parallel_loop3A_457 = tpu.vector_load %arg7[%parallel_loop3A_453, %parallel_loop3A_454, %parallel_loop3A_455, %parallel_loop3A_456] {strides = array<i32>} : memref<2x4x4x1024xf32, #tpu.memory_space<vmem>>, vector<1x1x1x16xf32>,
        %parallel_loop3A_458 = vector.shape_cast %parallel_loop3A_457 : vector<1x1x1x16xf32> to vector<16xf32>
        %parallel_loop3A_459 = vector.shape_cast %parallel_loop3A_450 : vector<16xf32> to vector<1x1x1x16xf32>
        tpu.vector_store %arg7[%parallel_loop3A_453, %parallel_loop3A_454, %parallel_loop3A_455, %parallel_loop3A_456], %parallel_loop3A_459 {strides = array<i32>} : memref<2x4x4x1024xf32, #tpu.memory_space<vmem>>, vector<1x1x1x16xf32>,
        %parallel_loop3A_460 = arith.constant 3 : i32
        %parallel_loop3A_461 = arith.constant 3 : i32
        %parallel_loop3A_462 = arith.index_cast %parallel_loop3A_460 : i32 to index
        %parallel_loop3A_463 = arith.index_cast %parallel_loop3A_461 : i32 to index
        %parallel_loop3A_464 = arith.index_cast %parallel_loop3A_394 : i32 to index
        %parallel_loop3A_465 = arith.index_cast %parallel_loop3A_399 : i32 to index
        %parallel_loop3A_466 = tpu.vector_load %arg6[%parallel_loop3A_462, %parallel_loop3A_463, %parallel_loop3A_464, %parallel_loop3A_465] {strides = array<i32>} : memref<4x4x4x1024xf32, #tpu.memory_space<vmem>>, vector<1x1x1x16xf32>,
        %parallel_loop3A_467 = vector.shape_cast %parallel_loop3A_466 : vector<1x1x1x16xf32> to vector<16xf32>
        %parallel_loop3A_468 = arith.addf %parallel_loop3A_467, %parallel_loop3A_405 : vector<16xf32>
        %parallel_loop3A_469 = arith.constant 1 : i32
        %parallel_loop3A_470 = arith.constant 3 : i32
        %parallel_loop3A_471 = arith.index_cast %parallel_loop3A_469 : i32 to index
        %parallel_loop3A_472 = arith.index_cast %parallel_loop3A_470 : i32 to index
        %parallel_loop3A_473 = arith.index_cast %parallel_loop3A_394 : i32 to index
        %parallel_loop3A_474 = arith.index_cast %parallel_loop3A_399 : i32 to index
        %parallel_loop3A_475 = tpu.vector_load %arg7[%parallel_loop3A_471, %parallel_loop3A_472, %parallel_loop3A_473, %parallel_loop3A_474] {strides = array<i32>} : memref<2x4x4x1024xf32, #tpu.memory_space<vmem>>, vector<1x1x1x16xf32>,
        %parallel_loop3A_476 = vector.shape_cast %parallel_loop3A_475 : vector<1x1x1x16xf32> to vector<16xf32>
        %parallel_loop3A_477 = vector.shape_cast %parallel_loop3A_468 : vector<16xf32> to vector<1x1x1x16xf32>
        tpu.vector_store %arg7[%parallel_loop3A_471, %parallel_loop3A_472, %parallel_loop3A_473, %parallel_loop3A_474], %parallel_loop3A_477 {strides = array<i32>} : memref<2x4x4x1024xf32, #tpu.memory_space<vmem>>, vector<1x1x1x16xf32>,
      } {sc.loop_unroll_factor = 8 : i64, sc.parallel_access}
      %mul3A_372 = arith.constant 4 : i32
      %mul3A_373 = arith.muli %add3A_323, %mul3A_372 : i32
      %add3A_374 = arith.addi %mul3A_2, %mul3A_373 : i32
      %dma_start3A_375 = arith.constant 1 : i32
      %dma_start3A_376 = arith.constant 0 : i32
      %dma_start3A_377 = arith.constant 0 : i32
      %dma_start3A_378 = arith.constant 0 : i32
      %dma_start3A_379 = tpu.memref_slice %arg7[%dma_start3A_375, %dma_start3A_376, %dma_start3A_377, %dma_start3A_378] : memref<2x4x4x1024xf32, #tpu.memory_space<vmem>> -> memref<1x4x4x1024xf32, #tpu.memory_space<vmem>>
      %dma_start3A_380 = tpu.memref_squeeze %dma_start3A_379 : memref<1x4x4x1024xf32, #tpu.memory_space<vmem>> -> memref<4x4x1024xf32, #tpu.memory_space<vmem>>
      %dma_start3A_381 = arith.constant 0 : i32
      %dma_start3A_382 = arith.constant 0 : i32
      %dma_start3A_383 = tpu.memref_slice %arg4[%dma_start3A_381, %add3A_374, %dma_start3A_382] : memref<4x8192x1024xf32, #tpu.memory_space<hbm>> -> memref<4x4x1024xf32, #tpu.memory_space<hbm>>
      %dma_start3A_384 = arith.constant 0 : i32
      %dma_start3A_385 = arith.constant 0 : i32
      %dma_start3A_386 = tpu.memref_slice %arg4[%dma_start3A_384, %add3A_374, %dma_start3A_385] : memref<4x8192x1024xf32, #tpu.memory_space<hbm>> -> memref<4x4x1024xf32, #tpu.memory_space<hbm>>
      %dma_start3A_387 = arith.constant 0 : i32
      %dma_start3A_388 = arith.constant 0 : i32
      %dma_start3A_389 = arith.constant 0 : i32
      %dma_start3A_390 = tpu.memref_slice %arg7[%dma_start3A_375, %dma_start3A_387, %dma_start3A_388, %dma_start3A_389] : memref<2x4x4x1024xf32, #tpu.memory_space<vmem>> -> memref<1x4x4x1024xf32, #tpu.memory_space<vmem>>
      %dma_start3A_391 = tpu.memref_squeeze %dma_start3A_390 : memref<1x4x4x1024xf32, #tpu.memory_space<vmem>> -> memref<4x4x1024xf32, #tpu.memory_space<vmem>>
      tpu.enqueue_dma source(%dma_start3A_391 : memref<4x4x1024xf32, #tpu.memory_space<vmem>>) target(%dma_start3A_386 : memref<4x4x1024xf32, #tpu.memory_space<hbm>>) target_semaphore(%arg13 : memref<!tpu.dma_semaphore, #tpu.memory_space<semaphore_mem>>)
    }
    %scan3A_70 = arith.constant 16 : i32
    %add3A_71 = arith.constant 248 : i32
    %add3A_72 = arith.addi %mul3A_2, %add3A_71 : i32
    %dma_wait3A = arith.constant 0 : i32
    %dma_wait3A_73 = arith.constant 0 : i32
    %dma_wait3A_74 = arith.constant 0 : i32
    %dma_wait3A_75 = arith.constant 0 : i32
    %dma_wait3A_76 = tpu.memref_slice %arg7[%dma_wait3A, %dma_wait3A_73, %dma_wait3A_74, %dma_wait3A_75] : memref<2x4x4x1024xf32, #tpu.memory_space<vmem>> -> memref<1x4x4x1024xf32, #tpu.memory_space<vmem>>
    %dma_wait3A_77 = tpu.memref_squeeze %dma_wait3A_76 : memref<1x4x4x1024xf32, #tpu.memory_space<vmem>> -> memref<4x4x1024xf32, #tpu.memory_space<vmem>>
    %dma_wait3A_78 = arith.constant 0 : i32
    %dma_wait3A_79 = arith.constant 0 : i32
    %dma_wait3A_80 = tpu.memref_slice %arg4[%dma_wait3A_78, %add3A_72, %dma_wait3A_79] : memref<4x8192x1024xf32, #tpu.memory_space<hbm>> -> memref<4x4x1024xf32, #tpu.memory_space<hbm>>
    %dma_wait3A_81 = arith.constant 0 : i32
    %dma_wait3A_82 = arith.constant 0 : i32
    %dma_wait3A_83 = tpu.memref_slice %arg4[%dma_wait3A_81, %add3A_72, %dma_wait3A_82] : memref<4x8192x1024xf32, #tpu.memory_space<hbm>> -> memref<4x4x1024xf32, #tpu.memory_space<hbm>>
    %dma_wait3A_84 = arith.constant 0 : i32
    %dma_wait3A_85 = arith.constant 0 : i32
    %dma_wait3A_86 = arith.constant 0 : i32
    %dma_wait3A_87 = tpu.memref_slice %arg7[%dma_wait3A, %dma_wait3A_84, %dma_wait3A_85, %dma_wait3A_86] : memref<2x4x4x1024xf32, #tpu.memory_space<vmem>> -> memref<1x4x4x1024xf32, #tpu.memory_space<vmem>>
    %dma_wait3A_88 = tpu.memref_squeeze %dma_wait3A_87 : memref<1x4x4x1024xf32, #tpu.memory_space<vmem>> -> memref<4x4x1024xf32, #tpu.memory_space<vmem>>
    tpu.wait_dma2 semaphore(%arg12 : memref<!tpu.dma_semaphore, #tpu.memory_space<semaphore_mem>>) src(%dma_wait3A_88 : memref<4x4x1024xf32, #tpu.memory_space<vmem>>) dst(%dma_wait3A_83 : memref<4x4x1024xf32, #tpu.memory_space<hbm>>)
    %add3A_89 = arith.constant 252 : i32
    %add3A_90 = arith.addi %mul3A_2, %add3A_89 : i32
    %dma_wait3A_91 = arith.constant 1 : i32
    %dma_wait3A_92 = arith.constant 0 : i32
    %dma_wait3A_93 = arith.constant 0 : i32
    %dma_wait3A_94 = arith.constant 0 : i32
    %dma_wait3A_95 = tpu.memref_slice %arg7[%dma_wait3A_91, %dma_wait3A_92, %dma_wait3A_93, %dma_wait3A_94] : memref<2x4x4x1024xf32, #tpu.memory_space<vmem>> -> memref<1x4x4x1024xf32, #tpu.memory_space<vmem>>
    %dma_wait3A_96 = tpu.memref_squeeze %dma_wait3A_95 : memref<1x4x4x1024xf32, #tpu.memory_space<vmem>> -> memref<4x4x1024xf32, #tpu.memory_space<vmem>>
    %dma_wait3A_97 = arith.constant 0 : i32
    %dma_wait3A_98 = arith.constant 0 : i32
    %dma_wait3A_99 = tpu.memref_slice %arg4[%dma_wait3A_97, %add3A_90, %dma_wait3A_98] : memref<4x8192x1024xf32, #tpu.memory_space<hbm>> -> memref<4x4x1024xf32, #tpu.memory_space<hbm>>
    %dma_wait3A_100 = arith.constant 0 : i32
    %dma_wait3A_101 = arith.constant 0 : i32
    %dma_wait3A_102 = tpu.memref_slice %arg4[%dma_wait3A_100, %add3A_90, %dma_wait3A_101] : memref<4x8192x1024xf32, #tpu.memory_space<hbm>> -> memref<4x4x1024xf32, #tpu.memory_space<hbm>>
    %dma_wait3A_103 = arith.constant 0 : i32
    %dma_wait3A_104 = arith.constant 0 : i32
    %dma_wait3A_105 = arith.constant 0 : i32
    %dma_wait3A_106 = tpu.memref_slice %arg7[%dma_wait3A_91, %dma_wait3A_103, %dma_wait3A_104, %dma_wait3A_105] : memref<2x4x4x1024xf32, #tpu.memory_space<vmem>> -> memref<1x4x4x1024xf32, #tpu.memory_space<vmem>>
    %dma_wait3A_107 = tpu.memref_squeeze %dma_wait3A_106 : memref<1x4x4x1024xf32, #tpu.memory_space<vmem>> -> memref<4x4x1024xf32, #tpu.memory_space<vmem>>
    tpu.wait_dma2 semaphore(%arg13 : memref<!tpu.dma_semaphore, #tpu.memory_space<semaphore_mem>>) src(%dma_wait3A_107 : memref<4x4x1024xf32, #tpu.memory_space<vmem>>) dst(%dma_wait3A_102 : memref<4x4x1024xf32, #tpu.memory_space<hbm>>)
    return
  }
}

</mosaic_0001>

<sc_bundles>
// kernel: kernel.3.cloned.1.call-start
scs
__scs_entry_jumppad:
0x0: {  	(pc) =	sbr.rel $0x88, $3  }
0x1: {  	(tag) =	ssettag $0x0;
	lr =	simm.s32 $0x1  }
0x2: {  	[smem:$0x3F9F] =	sst lr;
	_ =	strace $0xD0000000  }
0x3: {  	_ = 	snop  }
0x4: {  	_ = 	snop  }
0x5: {  	_ = 	snop  }
0x6: {  	_ = 	snop  }
0x7: {  	_ = 	snop  }
__scs_overlays_trampoline_lowered:
0x8: {  	[smem:$0x3FAE] =	sst s0  }
0x9: {  	[smem:$0x3FAF] =	sst s1  }
0xa: {  	[smem:$0x3FB0] =	sst s2  }
0xb: {  	[smem:$0x3FB1] =	sst s3  }
0xc: {  	[smem:$0x3FB2] =	sst s4  }
0xd: {  	[smem:$0x3FB3] =	sst s5  }
0xe: {  	[smem:$0x3FB4] =	sst s6  }
0xf: {  	[smem:$0x3FB5] =	sst s7  }
0x10: {  	[smem:$0x3FB6] =	sst s8  }
0x11: {  	[smem:$0x3FB7] =	sst s9;
	s0 =	simm.s32 @!p0 $0x0  }
0x12: {  	s1 =	sld [smem:$0x3F9D];
	s0 =	simm.s32 @p0 $0x1  }
0x13: {  	[smem:$0x3FB8] =	sst s0;
	s0 =	simm.s32 @!p1 $0x0  }
0x14: {  	s2 =	sld [smem:$0x3F9C];
	s0 =	simm.s32 @p1 $0x1  }
0x15: {  	[smem:$0x3FB9] =	sst s0;
	s0 =	simm.s32 @!p2 $0x0  }
0x16: {  	s3 =	sld [smem:$0x3FDB];
	s0 =	simm.s32 @p2 $0x1  }
0x17: {  	s4 =	simm.s32 $0x1BF5;
	[smem:$0x3FBB] =	sst s0  }
0x18: {  	s0 =	sld [smem:$0x3F9E];
	_ =	swait.ge [sflag:s4], $0x0  }
0x19: {  	s7 =	sld [smem:$0x3F9F]  }
0x1a: {  	s8 =	sadd.s32 $0xFFFFE003, lr  }
0x1b: {  	s9 =	sadd.s32 $0xFFFFFEF7, lr;
	s5 =	simm.s32 $0xFFFFFFFF;
	p2 =	slt.u32 s8, $0xFFFFF086  }
0x1c: {  	p1 =	slt.u32 s9, $0xF7A;
	s5 =	simm.s32 @!p2 $0x0  }
0x1d: {  	s5 =	simm.s32 @p1 $0x1;
	p0 =	seq.s32 s7, s2  }
0x1e: {  	s7 =	smul.u32 @!p0 $0xF7A, s2;
	p2 =	seq.s32 @!p0 s5, $0x0  }
0x1f: {  	s9 =	smul.u32 $0xF7A, s1;
	s8 =	simm.s32 @!p0 $0x1BF5;
	p2 =	por !p2, p0  }
0x20: {  	[sflag:s8] =	ssyncset.s32 @!p0 $0xFFFFF086;
	s6 =	sadd.s32 @!p0 s3, s7;
	s7 =	simm.s32 @!p0 $0x108  }
0x21: {  	s3 =	sadd.s32 s3, s9;
	s6 =	sadd.s32 @!p0 $0x88, s6;
	s7 =	simm.s32 @p2 $0x1082  }
0x22: {  	[simem:s7], [sflag:s8] =	dma.local @!p0 [hbm:s6], $0xF7A  }
0x23: {  	s9 =	sor.u32 $0xD0000000, s2;
	s6 =	simm.s32 $0x108;
	_ =	swait.ge @!p0 [sflag:s8], $0x0  }
0x24: {  	s3 =	sadd.s32 $0x88, s3;
	s6 =	simm.s32 @!p1 $0x1082;
	[sflag:s4] =	ssyncset.s32 $0xFFFFF086  }
0x25: {  	[simem:s6], [sflag:s4] =	dma.local [hbm:s3], $0xF7A  }
0x26: {  	[smem:$0x3F9F] =	sst s1;
	(tag) =	ssettag s2;
	_ =	strace s9  }
0x27: {  	s1 =	sld [smem:$0x3FAF]  }
0x28: {  	s2 =	sld [smem:$0x3FB0]  }
0x29: {  	s4 =	sld [smem:$0x3FB2]  }
0x2a: {  	p0 =	seq.s32 s5, $0x0;
	s5 =	sld [smem:$0x3FB3]  }
0x2b: {  	s6 =	sld [smem:$0x3FB4]  }
0x2c: {  	s7 =	sld [smem:$0x3FB5]  }
0x2d: {  	s3 =	simm.s32 $0x108;
	s8 =	sld [smem:$0x3FB6]  }
0x2e: {  	s3 =	simm.s32 @!p0 $0x1082;
	s9 =	sld [smem:$0x3FB7]  }
0x2f: {  	lr =	sadd.s32 s0, s3;
	s0 =	sld [smem:$0x3FAE]  }
0x30: {  	s3 =	sld [smem:$0x3FB1]  }
0x31: {  	[smem:$0x3FBA] =	sst s10  }
0x32: {  	s10 =	sld [smem:$0x3FB8];
	_ =	sdelay $0x3  }
0x33: {  	p0 =	seq.s32 s10, $0x1;
	s10 =	sld [smem:$0x3FBA];
	_ =	sdelay $0x3  }
0x34: {  	[smem:$0x3FBA] =	sst s10  }
0x35: {  	s10 =	sld [smem:$0x3FB9];
	_ =	sdelay $0x3  }
0x36: {  	p1 =	seq.s32 s10, $0x1;
	s10 =	sld [smem:$0x3FBA];
	_ =	sdelay $0x3  }
0x37: {  	[smem:$0x3FBA] =	sst s10  }
0x38: {  	s10 =	sld [smem:$0x3FBB]  }
0x39: {  	_ = 	snop;
	(pc) =	sbr.ind lr, $3  }
0x3a: {  	_ = 	snop  }
0x3b: {  	_ = 	snop  }
0x3c: {  	p2 =	seq.s32 s10, $0x1;
	s10 =	sld [smem:$0x3FBA]  }
0x3d: {  	_ =	shalt  }
0x3e: {  	_ =	shalt  }
0x3f: {  	_ =	shalt  }
0x40: {  	_ =	shalt  }
0x41: {  	_ =	shalt  }
0x42: {  	_ =	shalt  }
0x43: {  	_ =	shalt  }
0x44: {  	_ =	shalt  }
0x45: {  	_ =	shalt  }
0x46: {  	_ =	shalt  }
0x47: {  	_ =	shalt  }
0x48: {  	_ =	shalt  }
0x49: {  	_ =	shalt  }
0x4a: {  	_ =	shalt  }
0x4b: {  	_ =	shalt  }
0x4c: {  	_ =	shalt  }
0x4d: {  	_ =	shalt  }
0x4e: {  	_ =	shalt  }
0x4f: {  	_ =	shalt  }
0x50: {  	_ =	shalt  }
0x51: {  	_ =	shalt  }
0x52: {  	_ =	shalt  }
0x53: {  	_ =	shalt  }
0x54: {  	_ =	shalt  }
0x55: {  	_ =	shalt  }
0x56: {  	_ =	shalt  }
0x57: {  	_ =	shalt  }
0x58: {  	_ =	shalt  }
0x59: {  	_ =	shalt  }
0x5a: {  	_ =	shalt  }
0x5b: {  	_ =	shalt  }
0x5c: {  	_ =	shalt  }
0x5d: {  	_ =	shalt  }
0x5e: {  	_ =	shalt  }
0x5f: {  	_ =	shalt  }
0x60: {  	_ =	shalt  }
0x61: {  	_ =	shalt  }
0x62: {  	_ =	shalt  }
0x63: {  	_ =	shalt  }
0x64: {  	_ =	shalt  }
0x65: {  	_ =	shalt  }
0x66: {  	_ =	shalt  }
0x67: {  	_ =	shalt  }
0x68: {  	_ =	shalt  }
0x69: {  	_ =	shalt  }
0x6a: {  	_ =	shalt  }
0x6b: {  	_ =	shalt  }
0x6c: {  	_ =	shalt  }
0x6d: {  	_ =	shalt  }
0x6e: {  	_ =	shalt  }
0x6f: {  	_ =	shalt  }
0x70: {  	_ =	shalt  }
0x71: {  	_ =	shalt  }
0x72: {  	_ =	shalt  }
0x73: {  	_ =	shalt  }
0x74: {  	_ =	shalt  }
0x75: {  	_ =	shalt  }
0x76: {  	_ =	shalt  }
0x77: {  	_ =	shalt  }
0x78: {  	_ =	shalt  }
0x79: {  	_ =	shalt  }
0x7a: {  	_ =	shalt  }
0x7b: {  	_ =	shalt  }
0x7c: {  	_ =	shalt  }
0x7d: {  	_ =	shalt  }
0x7e: {  	_ =	shalt  }
0x7f: {  	_ =	shalt  }
0x80: {  	_ =	shalt  }
0x81: {  	_ =	shalt  }
0x82: {  	_ =	shalt  }
0x83: {  	_ =	shalt  }
0x84: {  	_ =	shalt  }
0x85: {  	_ =	shalt  }
0x86: {  	_ =	shalt  }
0x87: {  	_ =	shalt  }
.Lfunc_end0:
.L_simem_size_0:
called_computation_lowered:
.L_overlay_start_0:
0x88: {  	s2 =	sld [smem:$0x3FD9]  }
0x89: {  	s3 =	sld [smem:$0x3FFE];
	_ =	sdelay $0x1  }
0x8a: {  	s1 =	srdreg.scid  }
0x8b: {  	s0 =	sand.u32 $0x1, s1  }
0x8c: {  	s18 =	sshll.u32 s0, $0xA;
	s2 =	sadd.s32 s3, s2  }
0x8d: {  	s2 =	sadd.s32 s2, s18  }
0x8e: {  	[smem:$0x3FC6] =	sst s2  }
0x8f: {  	_ = 	snop  }
0x90: {  	s2 =	sld [smem:$0x3FC9]  }
0x91: {  	s19 =	sld [smem:$0x3FC8]  }
0x92: {  	s4 =	sld [smem:$0x3FD0];
	(tm) =	ssettm $0x1  }
0x93: {  	s5 =	sld [smem:$0x3FFB];
	_ =	sdelay $0x3  }
0x94: {  	_ =	strace s5  }
0x95: {  	s5 =	sld [smem:$0x3FFC];
	_ =	sdelay $0x3  }
0x96: {  	_ =	strace s5  }
0x97: {  	s5 =	sld [smem:$0x3FFD];
	_ =	sdelay $0x3  }
0x98: {  	_ =	strace s5  }
0x99: {  	_ =	strace $0x8FFFFFFF  }
0x9a: {  	s20 =	sld [smem:$0x3FDB];
	_ =	sdelay $0x1  }
0x9b: {  	s6 =	simm.s32 $_scs_section_size  }
0x9c: {  	s7 =	simm.s32 $_size__tile_overlayer_lowered;
	s8 =	simm.s32 $_tile_overlayer_lowered  }
0x9d: {  	s23 =	simm.s32 $0x1BFF;
	s22 =	sshll.u32 s8, $0x1;
	s5 =	sadd.s32 s6, s20  }
0x9e: {  	s9 =	simm.s32 $0x0;
	s21 =	sshll.u32 s7, $0x1;
	s7 =	sadd.s32 s22, s5  }
0x9f: {  	[timem:s9], [sflag:s23] =	dma.local [hbm:s7], s21  }
0xa0: {  	_ =	swait.ge [sflag:s23], s21  }
0xa1: {  	s6 =	ssub.s32 $0x0, s21;
	[sflag:s23] =	ssyncset.done $0x0  }
0xa2: {  	[sflag:s23] =	ssyncadd.s32 s6;
	_ =	sdelay $0x1  }
0xa3: {  	s24 =	simm.s32 $0x1B8B  }
0xa4: {  	_ =	swait.ge [sflag:s24], $0x1  }
0xa5: {  	[sflag:s24] =	ssyncset.done $0x0  }
0xa6: {  	s25 =	simm.s32 $0x1B8E;
	[sflag:s24] =	ssyncadd.s32 $0xFFFFFFFF  }
0xa7: {  	s26 =	simm.s32 $execute0_lowered;
	[smem:$0x3FD2] =	sst s25  }
0xa8: {  	s6 =	sshll.u32 s26, $0x1;
	_ =	strace $0x80000046;
	[dreg:$0x1] =	wrdreg $0xFFFFFFFF  }
0xa9: {  	s28 =	simm.s32 $_size_execute0_lowered;
	s5 =	sadd.s32 s5, s6;
	[dreg:$0x0] =	wrdreg $0x0  }
0xaa: {  	s6 =	sshll.u32 s28, $0x1;
	[dreg:$0x2] =	wrdreg s5  }
0xab: {  	[dreg:$0x3] =	wrdreg s6  }
0xac: {  	[dreg:$0x4] =	wrdreg $0xC0  }
0xad: {  	_ =	task [dreg:s9], $0x5FFFF  }
0xae: {  	[dreg:$0x1] =	wrdreg $0xFFFFFFFF  }
0xaf: {  	[dreg:$0x0] =	wrdreg $0x60  }
0xb0: {  	[dreg:$0x2] =	wrdreg s2  }
0xb1: {  	[dreg:$0x3] =	wrdreg s19  }
0xb2: {  	[dreg:$0x4] =	wrdreg s4  }
0xb3: {  	[dreg:$0x5] =	wrdreg $0x9  }
0xb4: {  	_ =	task.clear_ibuf [dreg:s9], $0x6FFFF;
	_ =	strace $0x90000046  }
0xb5: {  	s29 =	simm.s32 $0x9;
	_ =	strace $0x80000048  }
0xb6: {  	_ =	swait.ge [sflag:s29], $0x1  }
0xb7: {  	[sflag:s29] =	ssyncadd.s32 $0xFFFFFFFF  }
0xb8: {  	_ =	strace $0x90000048  }
0xb9: {  	_ =	sfence  }
0xba: {  	s30 =	sld [smem:$0x0];
	_ =	sdelay $0x2  }
0xbb: {  	s31 =	sshll.u32 s1, $0xD;
	s1 =	sshrl.u32 s1, $0x2  }
0xbc: {  	s3 =	sand.u32 $0x4000, s31;
	s1 =	sadd.s32 s1, s30  }
0xbd: {  	s0 =	sor.u32 s3, s0;
	s1 =	sshll.u32 s1, $0x11  }
0xbe: {  	s0 =	sor.u32 s1, s0  }
0xbf: {  	s0 =	sadd.s32 $0x8F2B, s0  }
0xc0: {  	[sflag:s0] =	ssyncadd.remote.s32 $0x1  }
0xc1: {  	_ =	sfence.sel $0xFFFF  }
0xc2: {  	[dreg:$0x0] =	wrdreg $0xFFFFFFFF;
	(pc) =	sbr.abs _section_cstart, $3  }
0xc3: {  	[dreg:$0x1] =	wrdreg $0xFFFFFFFF  }
0xc4: {  	_ =	task.clear_ibuf [dreg:s9], $0x2FFFF;
	_ =	strace $0x9FFFFFFF  }
0xc5: {  	(tm) =	ssettm $0x7FFFFFFF  }
tec
execute0_lowered:
.L_overlay_start_1:
0x0: {  	(tag) =	ssettag $0x1  }
0x1: {  	s7 =	rddreg [dreg:$0x0]  }
0x2: {  	s8 =	rddreg [dreg:$0x1]  }
0x3: {  	s1 =	rddreg [dreg:$0x2]  }
0x4: {  	s2 =	simm.s32 $0x0;
	s0 =	srdreg.scid;
	s14 =	stileid.u32  }
0x5: {  	[smem:$0x7FF] =	sst s2;
	s0 =	sand.u32 $0x1, s0;
	s5 =	sshll.u32 s14, $0x10  }
0x6: {  	s1 =	sadd.s32 $0x40, s1;
	s4 =	ssub.s32 $0x2, s0;
	s0 =	sshll.u32 s0, $0xF  }
0x7: {  	_ =	strace $0x80000047;
	[dreg:$0xb] =	wrdreg s1;
	s2 =	sor.u32 s0, s5  }
0x8: {  	s3 =	sadd.s32 s8, s2;
	[dreg:$0x4] =	wrdreg s2  }
0x9: {  	s19 =	sor.u32 $0x400, s2;
	[dreg:$0x5] =	wrdreg s3  }
0xa: {  	s20 =	sor.u32 $0x440, s2;
	[dreg:$0x9] =	wrdreg s19  }
0xb: {  	s21 =	sor.u32 $0x800, s2;
	[dreg:$0xa] =	wrdreg s20  }
0xc: {  	s6 =	sshrl.u32 s4, $0x1;
	s22 =	sor.u32 $0x840, s2;
	[dreg:$0xc] =	wrdreg s21  }
0xd: {  	s16 =	sor.u32 $0x40, s2;
	s17 =	sadd.s32 s7, s2;
	[dreg:$0xd] =	wrdreg s22  }
0xe: {  	s15 =	ssub.s32 s4, s6;
	s18 =	sadd.s32 s8, s16;
	[dreg:$0x6] =	wrdreg s17  }
0xf: {  	s0 =	smax.u32 s15, $0x1;
	[dreg:$0x7] =	wrdreg s18  }
0x10: {  	s23 =	sadd.s32 $0x100000, s17;
	[dreg:$0xe] =	wrdreg s0  }
0x11: {  	s24 =	sadd.s32 $0x200000, s17;
	[dreg:$0xf] =	wrdreg s23  }
0x12: {  	s25 =	sadd.s32 $0x300000, s17;
	[dreg:$0x10] =	wrdreg s24  }
0x13: {  	s4 =	sadd.s32 s7, s16;
	[dreg:$0x11] =	wrdreg s25  }
0x14: {  	s28 =	simm.s32 $0x3;
	s26 =	sadd.s32 $0x100000, s4;
	[dreg:$0x8] =	wrdreg s4  }
0x15: {  	s30 =	simm.s32 $0x4;
	s29 =	sadd.s32 $0x200000, s4;
	[dreg:$0x12] =	wrdreg s26  }
0x16: {  	s2 =	simm.s32 $0x0;
	s31 =	sadd.s32 $0x300000, s4;
	[dreg:$0x13] =	wrdreg s29  }
0x17: {  	s23 =	simm.s32 $0x200;
	s24 =	simm.s32 $0x400;
	[dreg:$0x14] =	wrdreg s31  }
.LBB2_1:
0x18: {  	[dreg:$0x15] =	wrdreg s2  }
0x19: {  	s0 =	simm.s32 $0x0;
	s1 =	rddreg [dreg:$0x5]  }
0x1a: {  	[tilespmem:s0], [sflag:$0x1] =	stream.strided.gather [hbm4b:s1+s23], $0x1000, s24, s23, $0x38;
	[tilespmem:$0x1C000] =	vst v63  }
0x1b: {  	s6 =	rddreg [dreg:$0x6];
	s9 =	simm.s32 $0x4000  }
0x1c: {  	[tilespmem:s9], [sflag:$0x1] =	stream.strided.gather [hbm4b:s6+s23], $0x1000, s24, s23, $0x38;
	[tilespmem:$0x1C000] =	vst v63  }
0x1d: {  	s10 =	rddreg [dreg:$0xf];
	s11 =	simm.s32 $0x5000  }
0x1e: {  	[tilespmem:s11], [sflag:$0x1] =	stream.strided.gather [hbm4b:s10+s23], $0x1000, s24, s23, $0x38;
	[tilespmem:$0x1C000] =	vst v63  }
0x1f: {  	s12 =	rddreg [dreg:$0x10];
	s13 =	simm.s32 $0x6000  }
0x20: {  	[tilespmem:s13], [sflag:$0x1] =	stream.strided.gather [hbm4b:s12+s23], $0x1000, s24, s23, $0x38;
	[tilespmem:$0x1C000] =	vst v63  }
0x21: {  	s14 =	rddreg [dreg:$0x11];
	s15 =	simm.s32 $0x7000  }
0x22: {  	[tilespmem:s15], [sflag:$0x1] =	stream.strided.gather [hbm4b:s14+s23], $0x1000, s24, s23, $0x38;
	[tilespmem:$0x1C000] =	vst v63  }
0x23: {  	s16 =	rddreg [dreg:$0x7];
	s17 =	simm.s32 $0x1000  }
0x24: {  	[tilespmem:s17], [sflag:$0x2] =	stream.strided.gather [hbm4b:s16+s23], $0x1000, s24, s23, $0x38;
	[tilespmem:$0x1C000] =	vst v63  }
0x25: {  	s18 =	rddreg [dreg:$0x8];
	s19 =	simm.s32 $0x8000  }
0x26: {  	[tilespmem:s19], [sflag:$0x2] =	stream.strided.gather [hbm4b:s18+s23], $0x1000, s24, s23, $0x38;
	[tilespmem:$0x1C000] =	vst v63  }
0x27: {  	s20 =	rddreg [dreg:$0x12];
	s21 =	simm.s32 $0x9000  }
0x28: {  	[tilespmem:s21], [sflag:$0x2] =	stream.strided.gather [hbm4b:s20+s23], $0x1000, s24, s23, $0x38;
	[tilespmem:$0x1C000] =	vst v63  }
0x29: {  	s22 =	rddreg [dreg:$0x13];
	s25 =	simm.s32 $0xA000  }
0x2a: {  	[tilespmem:s25], [sflag:$0x2] =	stream.strided.gather [hbm4b:s22+s23], $0x1000, s24, s23, $0x38;
	[tilespmem:$0x1C000] =	vst v63  }
0x2b: {  	s26 =	rddreg [dreg:$0x14];
	s29 =	simm.s32 $0xB000;
	s31 =	simm.s32 $0x0  }
0x2c: {  	[tilespmem:s29], [sflag:$0x2] =	stream.strided.gather [hbm4b:s26+s23], $0x1000, s24, s23, $0x38;
	[tilespmem:$0x1C000] =	vst v63  }
.LBB2_2:
0x2d: {  	s9 =	sshll.u32 s31, $0xB;
	s0 =	rddreg [dreg:$0x9]  }
0x2e: {  	s16 =	sadd.s32 s0, s9  }
0x2f: {  	s10 =	simm.s32 $0x2000;
	s4 =	sadd.s32 s8, s16  }
0x30: {  	[tilespmem:s10], [sflag:$0x3] =	stream.strided.gather [hbm4b:s4+s23], $0x1000, s24, s23, $0x38;
	[tilespmem:$0x1C000] =	vst v63  }
0x31: {  	s1 =	simm.s32 $0xC000;
	s11 =	sadd.s32 s7, s16  }
0x32: {  	[tilespmem:s1], [sflag:$0x3] =	stream.strided.gather [hbm4b:s11+s23], $0x1000, s24, s23, $0x38;
	[tilespmem:$0x1C000] =	vst v63  }
0x33: {  	s12 =	simm.s32 $0xD000;
	s5 =	sadd.s32 $0x100000, s11  }
0x34: {  	[tilespmem:s12], [sflag:$0x3] =	stream.strided.gather [hbm4b:s5+s23], $0x1000, s24, s23, $0x38;
	[tilespmem:$0x1C000] =	vst v63  }
0x35: {  	s14 =	simm.s32 $0xE000;
	s13 =	sadd.s32 $0x200000, s11  }
0x36: {  	[tilespmem:s14], [sflag:$0x3] =	stream.strided.gather [hbm4b:s13+s23], $0x1000, s24, s23, $0x38;
	[tilespmem:$0x1C000] =	vst v63  }
0x37: {  	s15 =	simm.s32 $0xF000;
	p0 =	seq.s32 s31, $0x0;
	s4 =	sadd.s32 $0x300000, s11  }
0x38: {  	[tilespmem:s15], [sflag:$0x3] =	stream.strided.gather [hbm4b:s4+s23], $0x1000, s24, s23, $0x38;
	[tilespmem:$0x1C000] =	vst v63  }
0x39: {  	s4 =	simm.s32 @!p0 $0x5  }
0x3a: {  	_ =	swait.ge @!p0 [sflag:s4], $0x4000  }
0x3b: {  	[sflag:s4] =	ssyncset.done @!p0 $0x0  }
0x3c: {  	s17 =	simm.s32 $0x1;
	[sflag:s4] =	ssyncadd.s32 @!p0 $0xFFFFC000  }
0x3d: {  	_ =	swait.ge [sflag:s17], $0x1000  }
0x3e: {  	s15 =	simm.s32 $0x0;
	[sflag:s17] =	ssyncset.done $0x0  }
0x3f: {  	s18 =	sand.u32 $0x7, s15;
	[sflag:s17] =	ssyncadd.s32 $0xFFFFF000  }
0x40: {  	s4 =	sshll.u32 s18, $0x9;
	_ =	swait.ge [sflag:s17], $0x4000  }
0x41: {  	s4 =	sadd.s32 $0x0, s4;
	[sflag:s17] =	ssyncset.done $0x0  }
0x42: {  	s19 =	sor.u32 $0x70, s4;
	[sflag:s17] =	ssyncadd.s32 $0xFFFFC000  }
0x43: {  	v2 =	vld [tilespmem:s19+$0x0]  }
0x44: {  	v0 =	vld [tilespmem:s19+$0x4000];
	_ =	sdelay $0x4  }
0x45: {  	v0 =	vadd.f32 v0, v2;
	_ =	sdelay $0x1  }
0x46: {  	s21 =	sor.u32 $0x1070, s4;
	[tilespmem:s19+$0x14000] =	vst v0  }
0x47: {  	v0 =	vld [tilespmem:s21+$0x4000];
	_ =	sdelay $0x4  }
0x48: {  	v0 =	vadd.f32 v0, v2;
	_ =	sdelay $0x1  }
0x49: {  	s4 =	sor.u32 $0x2070, s4;
	[tilespmem:s21+$0x14000] =	vst v0  }
0x4a: {  	v0 =	vld [tilespmem:s4+$0x4000];
	_ =	sdelay $0x3  }
0x4b: {  	s6 =	sand.u32 $0x180, s15;
	s25 =	sand.u32 $0xE00, s15  }
0x4c: {  	s17 =	sor.u32 s6, s25;
	v0 =	vadd.f32 v0, v2  }
0x4d: {  	s22 =	sor.u32 s15, s15;
	v4 =	vld [tilespmem:s17+$0x4000]  }
0x4e: {  	s5 =	sor.u32 $0x3070, s22;
	[tilespmem:s4+$0x14000] =	vst v0;
	v0 =	vld [tilespmem:s17+$0x0]  }
0x4f: {  	v3 =	vld [tilespmem:s5+$0x4000]  }
0x50: {  	v6 =	vld [tilespmem:s17+$0x5000];
	_ =	sdelay $0x1  }
0x51: {  	v7 =	vld [tilespmem:s17+$0x6000]  }
0x52: {  	v1 =	vld [tilespmem:s17+$0x10]  }
0x53: {  	s20 =	smov.u32 s8;
	s26 =	sand.u32 $0xFFFFFF80, s15;
	v8 =	vadd.f32 v4, v0;
	v2 =	vadd.f32 v3, v2;
	v3 =	vld [tilespmem:s17+$0x4010]  }
0x54: {  	s0 =	smov.u32 s7;
	s7 =	simm.s32 $0x0;
	s29 =	sadd.s32 $0x0, s26;
	v5 =	vld [tilespmem:s17+$0x5010];
	v6 =	vadd.f32 v6, v0  }
0x55: {  	s14 =	sor.u32 $0x3010, s29;
	s12 =	sor.u32 $0x3020, s29;
	s13 =	sor.u32 $0x3030, s29;
	v4 =	vld [tilespmem:s17+$0x6010];
	[tilespmem:s17+$0x14000] =	vst v8  }
0x56: {  	s11 =	sor.u32 $0x3040, s29;
	s18 =	sor.u32 $0x3050, s29;
	s6 =	sor.u32 $0x3000, s29;
	v7 =	vadd.f32 v7, v0;
	[tilespmem:s17+$0x15000] =	vst v6;
	v6 =	vld [tilespmem:s17+$0x4020]  }
0x57: {  	s19 =	sor.u32 $0x3060, s29;
	s4 =	simm.s32 $0x0;
	[tilespmem:s5+$0x14000] =	vst v2;
	v2 =	vld [tilespmem:s17+$0x20];
	s5 =	simm.s32 $0x1  }
.LBB2_3:
0x58: {  	s8 =	sand.u32 $0x7, s5;
	[tilespmem:s17+$0x16000] =	vst v7;
	v3 =	vadd.f32 v3, v1;
	v7 =	vld [tilespmem:s17+$0x5020]  }
0x59: {  	s4 =	sadd.s32 $0x8, s4;
	s15 =	sadd.s32 $0x10, s15;
	s8 =	sshll.u32 s8, $0x9;
	v5 =	vadd.f32 v5, v1;
	v8 =	vld [tilespmem:s17+$0x6020]  }
0x5a: {  	s21 =	sand.u32 $0x180, s15;
	p1 =	slt.u32 s4, $0xF8;
	s8 =	sadd.s32 s8, s15;
	[tilespmem:s17+$0x14010] =	vst v3;
	v4 =	vadd.f32 v4, v1;
	v9 =	vld [tilespmem:s17+$0x30]  }
0x5b: {  	s22 =	sand.u32 $0xFFFFFF80, s15;
	s25 =	sor.u32 $0x70, s8;
	[tilespmem:s17+$0x15010] =	vst v5;
	v5 =	vld [tilespmem:s17+$0x4030]  }
0x5c: {  	v3 =	vld [tilespmem:s25+$0x0];
	[tilespmem:s17+$0x16010] =	vst v4;
	v4 =	vadd.f32 v6, v2  }
0x5d: {  	v6 =	vld [tilespmem:s25+$0x4000];
	v7 =	vadd.f32 v7, v2  }
0x5e: {  	[tilespmem:s17+$0x14020] =	vst v4;
	v4 =	vadd.f32 v8, v2;
	v8 =	vld [tilespmem:s17+$0x5030]  }
0x5f: {  	[tilespmem:s17+$0x15020] =	vst v7;
	v7 =	vld [tilespmem:s17+$0x6030]  }
0x60: {  	[tilespmem:s17+$0x16020] =	vst v4;
	v4 =	vadd.f32 v5, v9;
	v5 =	vld [tilespmem:s17+$0x40]  }
0x61: {  	v10 =	vld [tilespmem:s17+$0x4040]  }
0x62: {  	v6 =	vadd.f32 v6, v3;
	[tilespmem:s17+$0x14030] =	vst v4;
	v4 =	vld [tilespmem:s17+$0x5040]  }
0x63: {  	v8 =	vadd.f32 v8, v9;
	v11 =	vld [tilespmem:s17+$0x6040]  }
0x64: {  	[tilespmem:s25+$0x14000] =	vst v6;
	s25 =	sor.u32 $0x1070, s8;
	v6 =	vadd.f32 v7, v9;
	v7 =	vld [tilespmem:s17+$0x50]  }
0x65: {  	v12 =	vld [tilespmem:s25+$0x4000];
	[tilespmem:s17+$0x15030] =	vst v8  }
0x66: {  	[tilespmem:s17+$0x16030] =	vst v6;
	v6 =	vadd.f32 v10, v5;
	v8 =	vld [tilespmem:s17+$0x4050]  }
0x67: {  	v4 =	vadd.f32 v4, v5;
	v10 =	vld [tilespmem:s17+$0x5050]  }
0x68: {  	[tilespmem:s17+$0x14040] =	vst v6;
	v6 =	vadd.f32 v11, v5;
	v11 =	vld [tilespmem:s17+$0x6050]  }
0x69: {  	[tilespmem:s17+$0x15040] =	vst v4;
	v4 =	vld [tilespmem:s17+$0x60]  }
0x6a: {  	v12 =	vadd.f32 v12, v3;
	[tilespmem:s17+$0x16040] =	vst v6;
	v6 =	vld [tilespmem:s17+$0x4060]  }
0x6b: {  	v8 =	vadd.f32 v8, v7;
	v13 =	vld [tilespmem:s17+$0x5060]  }
0x6c: {  	s8 =	sor.u32 $0x2070, s8;
	[tilespmem:s25+$0x14000] =	vst v12;
	v10 =	vadd.f32 v10, v7;
	v12 =	vld [tilespmem:s17+$0x6060]  }
0x6d: {  	v14 =	vld [tilespmem:s8+$0x4000];
	[tilespmem:s17+$0x14050] =	vst v8;
	v8 =	vadd.f32 v11, v7  }
0x6e: {  	v11 =	vld [tilespmem:s6+$0x4000];
	[tilespmem:s17+$0x15050] =	vst v10  }
0x6f: {  	v10 =	vld [tilespmem:s14+$0x4000];
	[tilespmem:s17+$0x16050] =	vst v8;
	v6 =	vadd.f32 v6, v4  }
0x70: {  	v8 =	vld [tilespmem:s12+$0x4000];
	v13 =	vadd.f32 v13, v4  }
0x71: {  	v15 =	vld [tilespmem:s13+$0x4000];
	[tilespmem:s17+$0x14060] =	vst v6;
	v6 =	vadd.f32 v12, v4  }
0x72: {  	s7 =	sadd.s32 $0x200, s7;
	v12 =	vadd.f32 v14, v3;
	v14 =	vld [tilespmem:s11+$0x4000];
	[tilespmem:s17+$0x15060] =	vst v13  }
0x73: {  	s10 =	sor.u32 s7, s15;
	s22 =	sadd.s32 s22, s7;
	s25 =	sand.u32 $0xE00, s7;
	v0 =	vadd.f32 v11, v0;
	v11 =	vld [tilespmem:s18+$0x4000];
	[tilespmem:s17+$0x16060] =	vst v6  }
0x74: {  	s17 =	sor.u32 s21, s25;
	s21 =	sor.u32 $0x3000, s22;
	[tilespmem:s8+$0x14000] =	vst v12;
	s8 =	sor.u32 $0x3070, s10;
	v1 =	vadd.f32 v10, v1;
	v6 =	vld [tilespmem:s19+$0x4000]  }
0x75: {  	s3 =	sor.u32 $0x3030, s22;
	s25 =	sor.u32 $0x3020, s22;
	s10 =	sor.u32 $0x3010, s22;
	v10 =	vld [tilespmem:s8+$0x4000];
	[tilespmem:s6+$0x14000] =	vst v0;
	v2 =	vadd.f32 v8, v2  }
0x76: {  	s26 =	sor.u32 $0x3040, s22;
	s29 =	sor.u32 $0x3050, s22;
	s22 =	sor.u32 $0x3060, s22;
	v0 =	vld [tilespmem:s17+$0x0];
	[tilespmem:s14+$0x14000] =	vst v1;
	v1 =	vadd.f32 v15, v9  }
0x77: {  	s6 =	smov.u32 s21;
	s14 =	smov.u32 s10;
	v8 =	vld [tilespmem:s17+$0x4000];
	[tilespmem:s12+$0x14000] =	vst v2;
	v2 =	vadd.f32 v14, v5;
	s12 =	smov.u32 s25  }
0x78: {  	v9 =	vld [tilespmem:s17+$0x5000];
	[tilespmem:s13+$0x14000] =	vst v1;
	v5 =	vadd.f32 v11, v7;
	s13 =	smov.u32 s3  }
0x79: {  	v7 =	vld [tilespmem:s17+$0x6000];
	[tilespmem:s11+$0x14000] =	vst v2;
	v2 =	vadd.f32 v6, v4;
	s11 =	smov.u32 s26  }
0x7a: {  	v1 =	vld [tilespmem:s17+$0x10];
	v4 =	vadd.f32 v10, v3;
	[tilespmem:s18+$0x14000] =	vst v5;
	s18 =	smov.u32 s29  }
.Ltmp0:
0x7b: {  	v3 =	vld [tilespmem:s17+$0x4010];
	[tilespmem:s19+$0x14000] =	vst v2;
	s19 =	smov.u32 s22;
	(pc) =	sbr.rel @p1 .LBB2_3-.Ltmp0, $4  }
0x7c: {  	v2 =	vadd.f32 v8, v0;
	v5 =	vld [tilespmem:s17+$0x5010];
	[tilespmem:s8+$0x14000] =	vst v4  }
0x7d: {  	v6 =	vadd.f32 v9, v0;
	v4 =	vld [tilespmem:s17+$0x6010]  }
0x7e: {  	[tilespmem:s17+$0x14000] =	vst v2;
	v7 =	vadd.f32 v7, v0;
	v2 =	vld [tilespmem:s17+$0x20]  }
0x7f: {  	s5 =	sadd.s32 $0x1, s5;
	[tilespmem:s17+$0x15000] =	vst v6;
	v6 =	vld [tilespmem:s17+$0x4020]  }
0x80: {  	v8 =	vld [tilespmem:s17+$0x5020]  }
0x81: {  	v9 =	vld [tilespmem:s17+$0x6020]  }
0x82: {  	v10 =	vld [tilespmem:s17+$0x30]  }
0x83: {  	v11 =	vld [tilespmem:s17+$0x4030]  }
0x84: {  	v12 =	vld [tilespmem:s17+$0x5030];
	v3 =	vadd.f32 v3, v1  }
0x85: {  	v13 =	vld [tilespmem:s17+$0x6030];
	[tilespmem:s17+$0x16000] =	vst v7;
	v5 =	vadd.f32 v5, v1  }
0x86: {  	v7 =	vld [tilespmem:s17+$0x40];
	[tilespmem:s17+$0x14010] =	vst v3;
	v3 =	vadd.f32 v4, v1  }
0x87: {  	v4 =	vld [tilespmem:s17+$0x4040];
	[tilespmem:s17+$0x15010] =	vst v5;
	v5 =	vadd.f32 v6, v2  }
0x88: {  	v6 =	vld [tilespmem:s17+$0x5040];
	[tilespmem:s17+$0x16010] =	vst v3;
	v3 =	vadd.f32 v8, v2  }
0x89: {  	v8 =	vld [tilespmem:s17+$0x6040];
	[tilespmem:s17+$0x14020] =	vst v5;
	v5 =	vadd.f32 v9, v2  }
0x8a: {  	v9 =	vld [tilespmem:s17+$0x50];
	[tilespmem:s17+$0x15020] =	vst v3;
	v3 =	vadd.f32 v11, v10  }
0x8b: {  	v11 =	vld [tilespmem:s17+$0x4050];
	[tilespmem:s17+$0x16020] =	vst v5;
	v5 =	vadd.f32 v12, v10  }
0x8c: {  	v12 =	vld [tilespmem:s17+$0x5050];
	[tilespmem:s17+$0x14030] =	vst v3;
	v3 =	vadd.f32 v13, v10  }
0x8d: {  	v4 =	vadd.f32 v4, v7;
	v13 =	vld [tilespmem:s17+$0x6050];
	[tilespmem:s17+$0x15030] =	vst v5  }
0x8e: {  	v5 =	vld [tilespmem:s17+$0x60];
	[tilespmem:s17+$0x16030] =	vst v3;
	v3 =	vadd.f32 v6, v7  }
0x8f: {  	[tilespmem:s17+$0x14040] =	vst v4;
	v4 =	vadd.f32 v8, v7;
	v6 =	vld [tilespmem:s17+$0x4060]  }
0x90: {  	v8 =	vld [tilespmem:s17+$0x5060];
	[tilespmem:s17+$0x15040] =	vst v3;
	v3 =	vadd.f32 v11, v9  }
0x91: {  	[tilespmem:s17+$0x16040] =	vst v4;
	v11 =	vld [tilespmem:s17+$0x6060];
	v4 =	vadd.f32 v12, v9  }
0x92: {  	v12 =	vld [tilespmem:s6+$0x4000];
	[tilespmem:s17+$0x14050] =	vst v3;
	v3 =	vadd.f32 v13, v9  }
0x93: {  	[tilespmem:s17+$0x15050] =	vst v4;
	v4 =	vld [tilespmem:s14+$0x4000]  }
0x94: {  	v6 =	vadd.f32 v6, v5;
	[tilespmem:s17+$0x16050] =	vst v3;
	v3 =	vld [tilespmem:s12+$0x4000]  }
0x95: {  	v8 =	vadd.f32 v8, v5;
	v13 =	vld [tilespmem:s13+$0x4000]  }
0x96: {  	[tilespmem:s17+$0x14060] =	vst v6;
	v6 =	vadd.f32 v11, v5;
	v11 =	vld [tilespmem:s11+$0x4000]  }
0x97: {  	[tilespmem:s17+$0x15060] =	vst v8;
	v0 =	vadd.f32 v12, v0;
	v8 =	vld [tilespmem:s18+$0x4000]  }
0x98: {  	[tilespmem:s17+$0x16060] =	vst v6;
	v1 =	vadd.f32 v4, v1  }
0x99: {  	[tilespmem:s6+$0x14000] =	vst v0;
	v0 =	vadd.f32 v3, v2  }
0x9a: {  	v4 =	vld [tilespmem:s19+$0x4000];
	[tilespmem:s14+$0x14000] =	vst v1;
	v1 =	vadd.f32 v13, v10  }
0x9b: {  	[tilespmem:s12+$0x14000] =	vst v0;
	v0 =	vadd.f32 v11, v7  }
0x9c: {  	[tilespmem:s13+$0x14000] =	vst v1;
	v1 =	vadd.f32 v8, v9  }
0x9d: {  	[tilespmem:s11+$0x14000] =	vst v0  }
0x9e: {  	[tilespmem:s18+$0x14000] =	vst v1  }
0x9f: {  	v0 =	vadd.f32 v4, v5;
	s1 =	rddreg [dreg:$0x4]  }
0xa0: {  	s4 =	rddreg [dreg:$0x2];
	s18 =	sor.u32 s1, s9  }
0xa1: {  	s5 =	simm.s32 $0x14000;
	[tilespmem:s19+$0x14000] =	vst v0;
	s3 =	sadd.s32 s4, s18  }
0xa2: {  	[hbm4b:s3+s23] =	stream.strided.scatter [tilespmem:s5], [sflag:$0x5], $0x1000, s24, s23, $0x38;
	[tilespmem:$0x1C000] =	vst v63  }
0xa3: {  	s6 =	simm.s32 $0x15000;
	s4 =	sadd.s32 $0x100000, s3  }
0xa4: {  	[hbm4b:s4+s23] =	stream.strided.scatter [tilespmem:s6], [sflag:$0x5], $0x1000, s24, s23, $0x38;
	[tilespmem:$0x1C000] =	vst v63  }
0xa5: {  	s8 =	simm.s32 $0x16000;
	s11 =	rddreg [dreg:$0xa];
	s7 =	sadd.s32 $0x200000, s3  }
0xa6: {  	[hbm4b:s7+s23] =	stream.strided.scatter [tilespmem:s8], [sflag:$0x5], $0x1000, s24, s23, $0x38;
	[tilespmem:$0x1C000] =	vst v63  }
0xa7: {  	s10 =	simm.s32 $0x17000;
	s3 =	sadd.s32 $0x300000, s3;
	s17 =	sadd.s32 s11, s9  }
0xa8: {  	[hbm4b:s3+s23] =	stream.strided.scatter [tilespmem:s10], [sflag:$0x5], $0x1000, s24, s23, $0x38;
	[tilespmem:$0x1C000] =	vst v63  }
0xa9: {  	s13 =	simm.s32 $0x3000;
	s12 =	sadd.s32 s20, s17  }
0xaa: {  	[tilespmem:s13], [sflag:$0x4] =	stream.strided.gather [hbm4b:s12+s23], $0x1000, s24, s23, $0x38;
	[tilespmem:$0x1C000] =	vst v63  }
0xab: {  	s15 =	simm.s32 $0x10000;
	s14 =	sadd.s32 s0, s17  }
0xac: {  	[tilespmem:s15], [sflag:$0x4] =	stream.strided.gather [hbm4b:s14+s23], $0x1000, s24, s23, $0x38;
	[tilespmem:$0x1C000] =	vst v63  }
0xad: {  	s21 =	simm.s32 $0x11000;
	s19 =	sadd.s32 $0x100000, s14  }
0xae: {  	[tilespmem:s21], [sflag:$0x4] =	stream.strided.gather [hbm4b:s19+s23], $0x1000, s24, s23, $0x38;
	[tilespmem:$0x1C000] =	vst v63  }
0xaf: {  	s25 =	simm.s32 $0x12000;
	s22 =	sadd.s32 $0x200000, s14  }
0xb0: {  	[tilespmem:s25], [sflag:$0x4] =	stream.strided.gather [hbm4b:s22+s23], $0x1000, s24, s23, $0x38;
	[tilespmem:$0x1C000] =	vst v63  }
0xb1: {  	s26 =	simm.s32 $0x13000;
	s3 =	sadd.s32 $0x300000, s14  }
0xb2: {  	[tilespmem:s26], [sflag:$0x4] =	stream.strided.gather [hbm4b:s3+s23], $0x1000, s24, s23, $0x38;
	[tilespmem:$0x1C000] =	vst v63  }
0xb3: {  	s3 =	simm.s32 @!p0 $0x6  }
0xb4: {  	_ =	swait.ge @!p0 [sflag:s3], $0x4000  }
0xb5: {  	[sflag:s3] =	ssyncset.done @!p0 $0x0  }
0xb6: {  	s29 =	simm.s32 $0x2;
	[sflag:s3] =	ssyncadd.s32 @!p0 $0xFFFFC000  }
0xb7: {  	_ =	swait.ge [sflag:s29], $0x1000  }
0xb8: {  	[sflag:s29] =	ssyncset.done $0x0  }
0xb9: {  	s2 =	simm.s32 $0x0;
	[sflag:s29] =	ssyncadd.s32 $0xFFFFF000  }
0xba: {  	s5 =	sand.u32 $0xE00, s2;
	s6 =	sand.u32 $0x7, s2;
	_ =	swait.ge [sflag:s29], $0x4000  }
0xbb: {  	s7 =	sand.u32 $0x180, s2;
	s3 =	sshll.u32 s6, $0x9;
	[sflag:s29] =	ssyncset.done $0x0  }
0xbc: {  	s5 =	sor.u32 s7, s5;
	s3 =	sadd.s32 $0x0, s3;
	[sflag:s29] =	ssyncadd.s32 $0xFFFFC000  }
0xbd: {  	s8 =	sor.u32 $0x4070, s3;
	v2 =	vld [tilespmem:s5+$0x1070]  }
0xbe: {  	v0 =	vld [tilespmem:s8+$0x4000]  }
0xbf: {  	v3 =	vld [tilespmem:s5+$0x1000]  }
0xc0: {  	v1 =	vld [tilespmem:s5+$0x8000]  }
0xc1: {  	v4 =	vld [tilespmem:s5+$0x9000]  }
0xc2: {  	v5 =	vld [tilespmem:s5+$0xA000]  }
0xc3: {  	v6 =	vld [tilespmem:s5+$0x1010]  }
0xc4: {  	v7 =	vld [tilespmem:s5+$0x8010]  }
0xc5: {  	v8 =	vld [tilespmem:s5+$0x9010]  }
0xc6: {  	v9 =	vld [tilespmem:s5+$0xA010]  }
0xc7: {  	v10 =	vld [tilespmem:s5+$0x1020]  }
0xc8: {  	v11 =	vld [tilespmem:s5+$0x8020]  }
0xc9: {  	v12 =	vld [tilespmem:s5+$0x9020];
	v0 =	vadd.f32 v0, v2  }
0xca: {  	v13 =	vld [tilespmem:s5+$0xA020]  }
0xcb: {  	s15 =	simm.s32 $0x1;
	s10 =	sor.u32 $0x5070, s3;
	v14 =	vld [tilespmem:s5+$0x1030];
	[tilespmem:s8+$0x14000] =	vst v0  }
0xcc: {  	s15 =	sand.u32 $0x7, s15;
	v0 =	vld [tilespmem:s10+$0x4000]  }
0xcd: {  	s15 =	sshll.u32 s15, $0x9;
	v15 =	vld [tilespmem:s5+$0x8030]  }
0xce: {  	s15 =	sadd.s32 $0x10, s15;
	v16 =	vld [tilespmem:s5+$0x9030];
	v4 =	vadd.f32 v4, v3  }
0xcf: {  	s1 =	sor.u32 $0x4070, s15;
	v17 =	vld [tilespmem:s5+$0x1050]  }
0xd0: {  	s7 =	simm.s32 $0x200;
	s26 =	simm.s32 $0x10;
	v20 =	vld [tilespmem:s1+$0x4000];
	[tilespmem:s5+$0x19000] =	vst v4;
	v4 =	vadd.f32 v7, v6  }
0xd1: {  	s21 =	sand.u32 $0x180, s26;
	s29 =	sand.u32 $0xE00, s7;
	v7 =	vld [tilespmem:s5+$0x1040];
	v0 =	vadd.f32 v0, v2  }
0xd2: {  	s19 =	sor.u32 s21, s29;
	[tilespmem:s5+$0x18010] =	vst v4;
	v4 =	vld [tilespmem:s5+$0x9040]  }
0xd3: {  	s3 =	sor.u32 $0x6070, s3;
	v19 =	vld [tilespmem:s19+$0x1070];
	[tilespmem:s10+$0x14000] =	vst v0  }
0xd4: {  	v0 =	vadd.f32 v1, v3;
	v1 =	vld [tilespmem:s3+$0x4000]  }
0xd5: {  	v21 =	vld [tilespmem:s19+$0x9000];
	v11 =	vadd.f32 v11, v10  }
0xd6: {  	[tilespmem:s5+$0x18000] =	vst v0;
	v0 =	vadd.f32 v5, v3;
	v5 =	vld [tilespmem:s5+$0xA030]  }
0xd7: {  	v22 =	vld [tilespmem:s19+$0xA000];
	[tilespmem:s5+$0x18020] =	vst v11;
	v4 =	vadd.f32 v4, v7  }
0xd8: {  	v11 =	vld [tilespmem:s5+$0x8050];
	[tilespmem:s5+$0x1A000] =	vst v0;
	v0 =	vadd.f32 v8, v6  }
0xd9: {  	[tilespmem:s5+$0x19040] =	vst v4;
	v8 =	vld [tilespmem:s5+$0x8040];
	v1 =	vadd.f32 v1, v2  }
0xda: {  	s11 =	sor.u32 s2, s2;
	[tilespmem:s5+$0x19010] =	vst v0;
	v0 =	vadd.f32 v9, v6;
	v9 =	vld [tilespmem:s5+$0xA040]  }
0xdb: {  	s12 =	sand.u32 $0xFFFFFF80, s2;
	s8 =	sor.u32 $0x7070, s11;
	v5 =	vadd.f32 v5, v14;
	[tilespmem:s3+$0x14000] =	vst v1;
	v1 =	vadd.f32 v13, v10;
	v13 =	vld [tilespmem:s5+$0x9050]  }
0xdc: {  	s4 =	sadd.s32 $0x0, s12;
	[tilespmem:s5+$0x1A010] =	vst v0;
	v0 =	vadd.f32 v12, v10;
	v12 =	vld [tilespmem:s8+$0x4000]  }
0xdd: {  	s3 =	sor.u32 $0x7000, s4;
	[tilespmem:s5+$0x1A030] =	vst v5;
	v5 =	vld [tilespmem:s5+$0x9060]  }
0xde: {  	v4 =	vadd.f32 v11, v17;
	v11 =	vld [tilespmem:s3+$0x4000];
	[tilespmem:s5+$0x19020] =	vst v0;
	v0 =	vadd.f32 v15, v14  }
0xdf: {  	[tilespmem:s5+$0x1A020] =	vst v1;
	v1 =	vadd.f32 v16, v14;
	v15 =	vld [tilespmem:s5+$0xA050]  }
0xe0: {  	[tilespmem:s5+$0x18030] =	vst v0;
	v0 =	vld [tilespmem:s5+$0x1060]  }
0xe1: {  	s14 =	sor.u32 $0x7030, s4;
	[tilespmem:s5+$0x19030] =	vst v1;
	v1 =	vadd.f32 v8, v7;
	v8 =	vld [tilespmem:s5+$0x8060]  }
0xe2: {  	v62 =	vld [tilespmem:s14+$0x4000]  }
0xe3: {  	[tilespmem:s5+$0x18040] =	vst v1;
	v1 =	vadd.f32 v9, v7;
	v9 =	vld [tilespmem:s5+$0xA060]  }
0xe4: {  	v2 =	vadd.f32 v12, v2;
	v12 =	vld [tilespmem:s19+$0x8000]  }
0xe5: {  	s13 =	sor.u32 $0x7020, s4;
	[tilespmem:s5+$0x18050] =	vst v4;
	v3 =	vadd.f32 v11, v3;
	v11 =	vld [tilespmem:s19+$0xA010]  }
0xe6: {  	s10 =	sor.u32 $0x7010, s4;
	v4 =	vadd.f32 v15, v17;
	v15 =	vld [tilespmem:s13+$0x4000];
	[tilespmem:s5+$0x1A040] =	vst v1  }
0xe7: {  	v1 =	vadd.f32 v13, v17;
	v13 =	vld [tilespmem:s10+$0x4000];
	[tilespmem:s8+$0x14000] =	vst v2  }
0xe8: {  	v2 =	vld [tilespmem:s19+$0x1010];
	[tilespmem:s3+$0x14000] =	vst v3  }
0xe9: {  	s22 =	sor.u32 $0x7040, s4;
	v3 =	vld [tilespmem:s19+$0x1020];
	[tilespmem:s5+$0x1A050] =	vst v4;
	v8 =	vadd.f32 v8, v0  }
0xea: {  	v4 =	vld [tilespmem:s22+$0x4000];
	v5 =	vadd.f32 v5, v0;
	[tilespmem:s5+$0x19050] =	vst v1  }
0xeb: {  	s25 =	sor.u32 $0x7050, s4;
	v1 =	vld [tilespmem:s19+$0x1000];
	[tilespmem:s5+$0x18060] =	vst v8;
	v8 =	vadd.f32 v20, v19  }
0xec: {  	v18 =	vld [tilespmem:s25+$0x4000];
	v9 =	vadd.f32 v9, v0;
	[tilespmem:s5+$0x19060] =	vst v5  }
0xed: {  	s2 =	sor.u32 $0x5070, s15;
	v5 =	vld [tilespmem:s19+$0x8010];
	v10 =	vadd.f32 v15, v10;
	[tilespmem:s1+$0x14000] =	vst v8  }
0xee: {  	v6 =	vadd.f32 v13, v6;
	[tilespmem:s5+$0x1A060] =	vst v9;
	v9 =	vld [tilespmem:s2+$0x4000]  }
0xef: {  	v15 =	vld [tilespmem:s19+$0xA040];
	v11 =	vadd.f32 v11, v2;
	[tilespmem:s13+$0x14000] =	vst v10  }
0xf0: {  	v8 =	vld [tilespmem:s19+$0x9010];
	[tilespmem:s10+$0x14000] =	vst v6;
	v6 =	vadd.f32 v62, v14  }
0xf1: {  	v13 =	vld [tilespmem:s19+$0xA020];
	v4 =	vadd.f32 v4, v7;
	[tilespmem:s19+$0x1A010] =	vst v11  }
0xf2: {  	v7 =	vld [tilespmem:s19+$0x8020];
	[tilespmem:s14+$0x14000] =	vst v6;
	v6 =	vadd.f32 v18, v17  }
0xf3: {  	v10 =	vld [tilespmem:s19+$0x9020];
	[tilespmem:s22+$0x14000] =	vst v4;
	v9 =	vadd.f32 v9, v19  }
0xf4: {  	v11 =	vld [tilespmem:s19+$0x9040];
	[tilespmem:s25+$0x14000] =	vst v6;
	v6 =	vadd.f32 v12, v1  }
0xf5: {  	v4 =	vld [tilespmem:s19+$0x1030];
	v5 =	vadd.f32 v5, v2;
	[tilespmem:s2+$0x14000] =	vst v9  }
0xf6: {  	s21 =	sor.u32 $0x6070, s15;
	v9 =	vld [tilespmem:s19+$0x8030];
	[tilespmem:s19+$0x18000] =	vst v6;
	v6 =	vadd.f32 v22, v1  }
0xf7: {  	[tilespmem:s19+$0x18010] =	vst v5;
	v12 =	vadd.f32 v21, v1;
	v14 =	vld [tilespmem:s21+$0x4000]  }
0xf8: {  	v5 =	vld [tilespmem:s19+$0x1040];
	[tilespmem:s19+$0x1A000] =	vst v6;
	v6 =	vadd.f32 v8, v2  }
0xf9: {  	v13 =	vadd.f32 v13, v3;
	[tilespmem:s19+$0x19000] =	vst v12;
	v12 =	vld [tilespmem:s19+$0x9030]  }
0xfa: {  	v8 =	vld [tilespmem:s19+$0xA030];
	[tilespmem:s19+$0x19010] =	vst v6;
	v6 =	vadd.f32 v7, v3  }
0xfb: {  	[tilespmem:s19+$0x1A020] =	vst v13;
	v7 =	vld [tilespmem:s19+$0x8040];
	v9 =	vadd.f32 v9, v4  }
0xfc: {  	v13 =	vld [tilespmem:s19+$0x8050];
	v14 =	vadd.f32 v14, v19;
	[tilespmem:s19+$0x18020] =	vst v6  }
0xfd: {  	s22 =	sor.u32 s7, s26;
	v10 =	vadd.f32 v10, v3;
	v6 =	vld [tilespmem:s19+$0x1050];
	[tilespmem:s19+$0x18030] =	vst v9  }
0xfe: {  	s25 =	sor.u32 $0x7070, s22;
	v12 =	vadd.f32 v12, v4;
	v9 =	vld [tilespmem:s19+$0x9050];
	[tilespmem:s21+$0x14000] =	vst v14  }
0xff: {  	[tilespmem:s19+$0x19020] =	vst v10;
	v8 =	vadd.f32 v8, v4;
	v10 =	vld [tilespmem:s25+$0x4000]  }
0x100: {  	[tilespmem:s19+$0x19030] =	vst v12;
	v14 =	vld [tilespmem:s19+$0xA050];
	v12 =	vadd.f32 v7, v5  }
0x101: {  	[tilespmem:s19+$0x1A030] =	vst v8;
	v8 =	vadd.f32 v11, v5;
	v7 =	vld [tilespmem:s19+$0x1060]  }
0x102: {  	s26 =	sand.u32 $0xFFFFFF80, s26;
	v11 =	vadd.f32 v15, v5;
	v15 =	vld [tilespmem:s19+$0x8060];
	[tilespmem:s19+$0x18040] =	vst v12  }
0x103: {  	v63 =	vld [tilespmem:s19+$0x9060];
	s29 =	sadd.s32 $0x200, s26;
	[tilespmem:s19+$0x19040] =	vst v8;
	v12 =	vadd.f32 v13, v6  }
0x104: {  	s11 =	sor.u32 $0x7000, s29;
	[tilespmem:s19+$0x1A040] =	vst v11;
	v8 =	vadd.f32 v10, v19;
	v10 =	vld [tilespmem:s19+$0xA060]  }
0x105: {  	s6 =	sor.u32 $0x7060, s4;
	s12 =	sor.u32 $0x7010, s29;
	v11 =	vld [tilespmem:s11+$0x4000];
	v9 =	vadd.f32 v9, v6;
	[tilespmem:s19+$0x18050] =	vst v12  }
0x106: {  	s5 =	simm.s32 $0x8;
	s7 =	simm.s32 $0x20;
	v12 =	vld [tilespmem:s12+$0x4000];
	[tilespmem:s25+$0x14000] =	vst v8;
	s25 =	sor.u32 $0x7020, s29;
	v8 =	vadd.f32 v14, v6  }
0x107: {  	s15 =	sor.u32 $0x7030, s29;
	s4 =	sor.u32 $0x7040, s29;
	s14 =	sor.u32 $0x7050, s29;
	[tilespmem:s19+$0x19050] =	vst v9;
	v14 =	vadd.f32 v15, v7;
	v9 =	vld [tilespmem:s25+$0x4000]  }
0x108: {  	s13 =	sor.u32 $0x7060, s29;
	s22 =	simm.s32 $0x400;
	s21 =	simm.s32 $0x2;
	v13 =	vadd.f32 v63, v7;
	[tilespmem:s19+$0x1A050] =	vst v8;
	v8 =	vld [tilespmem:s15+$0x4000]  }
.LBB2_5:
0x109: {  	s3 =	sand.u32 $0x7, s21;
	s10 =	sand.u32 $0xE00, s22;
	s5 =	sadd.s32 $0x8, s5;
	v15 =	vld [tilespmem:s4+$0x4000];
	[tilespmem:s19+$0x18060] =	vst v14;
	v10 =	vadd.f32 v10, v7  }
0x10a: {  	s26 =	sand.u32 $0x180, s7;
	s3 =	sshll.u32 s3, $0x9;
	p0 =	slt.u32 s5, $0xF8;
	v1 =	vadd.f32 v11, v1;
	v11 =	vld [tilespmem:s14+$0x4000];
	[tilespmem:s19+$0x19060] =	vst v13  }
0x10b: {  	s29 =	sand.u32 $0xFFFFFF80, s7;
	s8 =	sadd.s32 s3, s7;
	v2 =	vadd.f32 v12, v2;
	[tilespmem:s19+$0x1A060] =	vst v10;
	s19 =	sor.u32 s26, s10;
	v10 =	vld [tilespmem:s6+$0x4000]  }
0x10c: {  	s3 =	sadd.s32 s29, s22;
	v12 =	vld [tilespmem:s19+$0x1070];
	s10 =	sor.u32 $0x4070, s8;
	[tilespmem:s11+$0x14000] =	vst v1;
	v3 =	vadd.f32 v9, v3  }
0x10d: {  	s11 =	sor.u32 $0x7000, s3;
	s26 =	sor.u32 $0x7020, s3;
	v9 =	vld [tilespmem:s10+$0x4000];
	[tilespmem:s12+$0x14000] =	vst v2;
	s12 =	sor.u32 $0x7010, s3;
	v2 =	vadd.f32 v8, v4  }
0x10e: {  	s29 =	sor.u32 $0x7030, s3;
	s1 =	sor.u32 $0x7040, s3;
	s2 =	sor.u32 $0x7050, s3;
	v1 =	vld [tilespmem:s19+$0x1000];
	[tilespmem:s25+$0x14000] =	vst v3;
	v3 =	vadd.f32 v15, v5  }
0x10f: {  	s3 =	sor.u32 $0x7060, s3;
	s25 =	smov.u32 s26;
	v4 =	vld [tilespmem:s19+$0x8000];
	[tilespmem:s15+$0x14000] =	vst v2;
	v2 =	vadd.f32 v11, v6;
	s15 =	smov.u32 s29  }
0x110: {  	v5 =	vld [tilespmem:s19+$0x9000];
	[tilespmem:s4+$0x14000] =	vst v3;
	v3 =	vadd.f32 v10, v0;
	v0 =	vmov v7;
	s4 =	smov.u32 s1  }
0x111: {  	v6 =	vld [tilespmem:s19+$0xA000];
	[tilespmem:s14+$0x14000] =	vst v2;
	s14 =	smov.u32 s2  }
0x112: {  	v2 =	vld [tilespmem:s19+$0x1010];
	v7 =	vadd.f32 v9, v12;
	[tilespmem:s6+$0x14000] =	vst v3;
	s6 =	smov.u32 s13;
	s13 =	smov.u32 s3  }
0x113: {  	v8 =	vld [tilespmem:s19+$0x8010]  }
0x114: {  	s1 =	sor.u32 $0x5070, s8;
	v3 =	vadd.f32 v4, v1;
	v4 =	vld [tilespmem:s19+$0x9010];
	[tilespmem:s10+$0x14000] =	vst v7  }
0x115: {  	v5 =	vadd.f32 v5, v1;
	v7 =	vld [tilespmem:s1+$0x4000]  }
0x116: {  	[tilespmem:s19+$0x18000] =	vst v3;
	v6 =	vadd.f32 v6, v1;
	v9 =	vld [tilespmem:s19+$0xA010]  }
0x117: {  	[tilespmem:s19+$0x19000] =	vst v5;
	v3 =	vld [tilespmem:s19+$0x1020]  }
0x118: {  	[tilespmem:s19+$0x1A000] =	vst v6;
	v5 =	vadd.f32 v8, v2;
	v6 =	vld [tilespmem:s19+$0x8020]  }
0x119: {  	v4 =	vadd.f32 v4, v2;
	v8 =	vld [tilespmem:s19+$0x9020]  }
0x11a: {  	[tilespmem:s19+$0x18010] =	vst v5;
	v5 =	vld [tilespmem:s19+$0xA020];
	v7 =	vadd.f32 v7, v12  }
0x11b: {  	[tilespmem:s19+$0x19010] =	vst v4;
	v9 =	vadd.f32 v9, v2;
	v4 =	vld [tilespmem:s19+$0x1030]  }
0x11c: {  	v10 =	vld [tilespmem:s19+$0x8030];
	[tilespmem:s1+$0x14000] =	vst v7;
	s1 =	sor.u32 $0x6070, s8  }
0x11d: {  	[tilespmem:s19+$0x1A010] =	vst v9;
	v6 =	vadd.f32 v6, v3;
	v7 =	vld [tilespmem:s1+$0x4000]  }
0x11e: {  	v8 =	vadd.f32 v8, v3;
	v9 =	vld [tilespmem:s19+$0x9030]  }
0x11f: {  	[tilespmem:s19+$0x18020] =	vst v6;
	v6 =	vadd.f32 v5, v3;
	v11 =	vld [tilespmem:s19+$0xA030]  }
0x120: {  	[tilespmem:s19+$0x19020] =	vst v8;
	v5 =	vld [tilespmem:s19+$0x1040]  }
0x121: {  	[tilespmem:s19+$0x1A020] =	vst v6;
	v6 =	vadd.f32 v10, v4;
	v8 =	vld [tilespmem:s19+$0x8040]  }
0x122: {  	v10 =	vld [tilespmem:s19+$0x9040];
	v7 =	vadd.f32 v7, v12  }
0x123: {  	s2 =	sor.u32 s22, s7;
	[tilespmem:s19+$0x18030] =	vst v6;
	v9 =	vadd.f32 v9, v4;
	v13 =	vld [tilespmem:s19+$0xA040]  }
0x124: {  	v11 =	vadd.f32 v11, v4;
	v6 =	vld [tilespmem:s19+$0x1050];
	[tilespmem:s1+$0x14000] =	vst v7;
	s1 =	sor.u32 $0x7070, s2  }
0x125: {  	[tilespmem:s19+$0x19030] =	vst v9;
	v9 =	vld [tilespmem:s1+$0x4000]  }
0x126: {  	[tilespmem:s19+$0x1A030] =	vst v11;
	v7 =	vadd.f32 v8, v5;
	v8 =	vld [tilespmem:s19+$0x8050]  }
0x127: {  	v10 =	vadd.f32 v10, v5;
	v11 =	vld [tilespmem:s19+$0x9050]  }
0x128: {  	[tilespmem:s19+$0x18040] =	vst v7;
	v13 =	vadd.f32 v13, v5;
	v14 =	vld [tilespmem:s19+$0xA050]  }
0x129: {  	[tilespmem:s19+$0x19040] =	vst v10;
	v7 =	vld [tilespmem:s19+$0x1060]  }
0x12a: {  	[tilespmem:s19+$0x1A040] =	vst v13;
	v13 =	vld [tilespmem:s19+$0x8060];
	v9 =	vadd.f32 v9, v12  }
0x12b: {  	v8 =	vadd.f32 v8, v6;
	v15 =	vld [tilespmem:s19+$0x9060]  }
.Ltmp1:
0x12c: {  	v16 =	vadd.f32 v11, v6;
	v10 =	vld [tilespmem:s19+$0xA060];
	[tilespmem:s1+$0x14000] =	vst v9;
	(pc) =	sbr.rel @p0 .LBB2_5-.Ltmp1, $4  }
0x12d: {  	v11 =	vld [tilespmem:s11+$0x4000];
	[tilespmem:s19+$0x18050] =	vst v8;
	v8 =	vadd.f32 v14, v6  }
0x12e: {  	v12 =	vld [tilespmem:s12+$0x4000];
	[tilespmem:s19+$0x19050] =	vst v16  }
0x12f: {  	v9 =	vld [tilespmem:s25+$0x4000];
	[tilespmem:s19+$0x1A050] =	vst v8;
	v14 =	vadd.f32 v13, v7  }
0x130: {  	s21 =	sadd.s32 $0x1, s21;
	s7 =	sadd.s32 $0x10, s7;
	s22 =	sadd.s32 $0x200, s22;
	v8 =	vld [tilespmem:s15+$0x4000];
	v13 =	vadd.f32 v15, v7  }
0x131: {  	v15 =	vld [tilespmem:s4+$0x4000];
	[tilespmem:s19+$0x18060] =	vst v14;
	v10 =	vadd.f32 v10, v7  }
0x132: {  	v54 =	vld [tilespmem:s6+$0x4000];
	v1 =	vadd.f32 v11, v1;
	[tilespmem:s19+$0x19060] =	vst v13  }
0x133: {  	v53 =	vld [tilespmem:s14+$0x4000];
	v2 =	vadd.f32 v12, v2;
	[tilespmem:s19+$0x1A060] =	vst v10  }
0x134: {  	[tilespmem:s11+$0x14000] =	vst v1;
	v1 =	vadd.f32 v9, v3;
	v3 =	vld [tilespmem:s13+$0x4000]  }
0x135: {  	[tilespmem:s12+$0x14000] =	vst v2;
	v2 =	vadd.f32 v8, v4  }
0x136: {  	[tilespmem:s25+$0x14000] =	vst v1;
	v1 =	vadd.f32 v15, v5  }
0x137: {  	v0 =	vadd.f32 v54, v0;
	[tilespmem:s15+$0x14000] =	vst v2  }
0x138: {  	v2 =	vadd.f32 v53, v6;
	[tilespmem:s4+$0x14000] =	vst v1  }
0x139: {  	[tilespmem:s6+$0x14000] =	vst v0;
	v1 =	vadd.f32 v3, v7  }
0x13a: {  	[tilespmem:s14+$0x14000] =	vst v2  }
0x13b: {  	[tilespmem:s13+$0x14000] =	vst v1  }
0x13c: {  	s1 =	rddreg [dreg:$0xb]  }
0x13d: {  	s10 =	simm.s32 $0x18000;
	s1 =	sadd.s32 s18, s1  }
0x13e: {  	[hbm4b:s1+s23] =	stream.strided.scatter [tilespmem:s10], [sflag:$0x6], $0x1000, s24, s23, $0x38;
	[tilespmem:$0x1C000] =	vst v63  }
0x13f: {  	s11 =	simm.s32 $0x19000;
	s2 =	sadd.s32 $0x100000, s1  }
0x140: {  	[hbm4b:s2+s23] =	stream.strided.scatter [tilespmem:s11], [sflag:$0x6], $0x1000, s24, s23, $0x38;
	[tilespmem:$0x1C000] =	vst v63  }
0x141: {  	s12 =	simm.s32 $0x1A000;
	s21 =	sadd.s32 $0x200000, s1  }
0x142: {  	[hbm4b:s21+s23] =	stream.strided.scatter [tilespmem:s12], [sflag:$0x6], $0x1000, s24, s23, $0x38;
	[tilespmem:$0x1C000] =	vst v63  }
0x143: {  	s13 =	simm.s32 $0x1B000;
	s1 =	sadd.s32 $0x300000, s1  }
0x144: {  	[hbm4b:s1+s23] =	stream.strided.scatter [tilespmem:s13], [sflag:$0x6], $0x1000, s24, s23, $0x38;
	[tilespmem:$0x1C000] =	vst v63  }
0x145: {  	p0 =	seq.s32 s31, $0xF;
	s1 =	rddreg [dreg:$0xc]  }
0x146: {  	s3 =	simm.s32 @!p0 $0x200;
	s1 =	sadd.s32 @!p0 s9, s1  }
0x147: {  	s5 =	simm.s32 @!p0 $0x0;
	s4 =	simm.s32 @!p0 $0x400;
	s2 =	sadd.s32 @!p0 s20, s1  }
0x148: {  	[tilespmem:s5], [sflag:$0x1] =	stream.strided.gather @!p0 [hbm4b:s2+s3], $0x1000, s4, s3, $0x38;
	[tilespmem:$0x1C000] =	vst v63  }
0x149: {  	s1 =	sadd.s32 @!p0 s0, s1;
	s2 =	simm.s32 @!p0 $0x4000  }
0x14a: {  	[tilespmem:s2], [sflag:$0x1] =	stream.strided.gather @!p0 [hbm4b:s1+s3], $0x1000, s4, s3, $0x38;
	[tilespmem:$0x1C000] =	vst v63  }
0x14b: {  	s5 =	simm.s32 @!p0 $0x5000;
	s2 =	sadd.s32 @!p0 $0x100000, s1  }
0x14c: {  	[tilespmem:s5], [sflag:$0x1] =	stream.strided.gather @!p0 [hbm4b:s2+s3], $0x1000, s4, s3, $0x38;
	[tilespmem:$0x1C000] =	vst v63  }
0x14d: {  	s2 =	sadd.s32 @!p0 $0x200000, s1;
	s5 =	simm.s32 @!p0 $0x6000  }
0x14e: {  	[tilespmem:s5], [sflag:$0x1] =	stream.strided.gather @!p0 [hbm4b:s2+s3], $0x1000, s4, s3, $0x38;
	[tilespmem:$0x1C000] =	vst v63  }
0x14f: {  	s22 =	simm.s32 $0x5;
	s1 =	sadd.s32 @!p0 $0x300000, s1;
	s2 =	simm.s32 @!p0 $0x7000  }
0x150: {  	[tilespmem:s2], [sflag:$0x1] =	stream.strided.gather @!p0 [hbm4b:s1+s3], $0x1000, s4, s3, $0x38;
	[tilespmem:$0x1C000] =	vst v63  }
0x151: {  	_ =	swait.ge [sflag:s22], $0x4000  }
0x152: {  	[sflag:s22] =	ssyncset.done $0x0  }
0x153: {  	[sflag:s22] =	ssyncadd.s32 $0xFFFFC000  }
0x154: {  	_ =	swait.ge [sflag:s28], $0x1000  }
0x155: {  	[sflag:s28] =	ssyncset.done $0x0  }
0x156: {  	[sflag:s28] =	ssyncadd.s32 $0xFFFFF000  }
0x157: {  	s25 =	simm.s32 $0x0;
	_ =	swait.ge [sflag:s28], $0x4000  }
0x158: {  	s26 =	sand.u32 $0xE00, s25;
	s29 =	sand.u32 $0x180, s25;
	[sflag:s28] =	ssyncset.done $0x0  }
0x159: {  	s18 =	sor.u32 s29, s26;
	s1 =	sor.u32 s26, s25;
	[sflag:s28] =	ssyncadd.s32 $0xFFFFC000  }
0x15a: {  	s1 =	sor.u32 $0x2070, s1;
	v0 =	vld [tilespmem:s18+$0xE070]  }
0x15b: {  	v1 =	vld [tilespmem:s1+$0x0]  }
0x15c: {  	v2 =	vld [tilespmem:s18+$0x2000]  }
0x15d: {  	v3 =	vld [tilespmem:s18+$0xC000]  }
0x15e: {  	v4 =	vld [tilespmem:s18+$0xD000]  }
0x15f: {  	v5 =	vld [tilespmem:s18+$0xE000]  }
0x160: {  	v6 =	vld [tilespmem:s18+$0xC070]  }
0x161: {  	v7 =	vld [tilespmem:s18+$0xD070]  }
0x162: {  	v8 =	vld [tilespmem:s18+$0xF000]  }
0x163: {  	v55 =	vld [tilespmem:s18+$0x2010]  }
0x164: {  	v56 =	vld [tilespmem:s18+$0xC010]  }
0x165: {  	v57 =	vld [tilespmem:s18+$0xD010]  }
0x166: {  	v58 =	vld [tilespmem:s18+$0xE010];
	v0 =	vadd.f32 v0, v1  }
0x167: {  	v59 =	vld [tilespmem:s18+$0xF010];
	v3 =	vadd.f32 v3, v2  }
0x168: {  	v60 =	vld [tilespmem:s18+$0xD030];
	v4 =	vadd.f32 v4, v2;
	[tilespmem:s1+$0x14000] =	vst v0  }
0x169: {  	[tilespmem:s18+$0x14000] =	vst v3;
	v3 =	vadd.f32 v5, v2;
	v2 =	vadd.f32 v8, v2;
	v0 =	vld [tilespmem:s18+$0xF070]  }
0x16a: {  	v61 =	vld [tilespmem:s18+$0xE030];
	[tilespmem:s18+$0x15000] =	vst v4  }
0x16b: {  	v5 =	vld [tilespmem:s18+$0x2020];
	[tilespmem:s18+$0x17000] =	vst v2;
	v2 =	vadd.f32 v7, v1  }
0x16c: {  	v4 =	vld [tilespmem:s18+$0xC020];
	[tilespmem:s18+$0x16000] =	vst v3;
	v3 =	vadd.f32 v6, v1  }
0x16d: {  	v8 =	vld [tilespmem:s18+$0xC030];
	[tilespmem:s18+$0x15070] =	vst v2;
	v2 =	vadd.f32 v56, v55  }
0x16e: {  	v7 =	vld [tilespmem:s18+$0xE020];
	[tilespmem:s18+$0x14070] =	vst v3;
	v0 =	vadd.f32 v0, v1  }
0x16f: {  	v6 =	vld [tilespmem:s18+$0xD020];
	[tilespmem:s18+$0x14010] =	vst v2;
	v2 =	vadd.f32 v58, v55  }
0x170: {  	v3 =	vld [tilespmem:s18+$0x2030];
	[tilespmem:s18+$0x17070] =	vst v0;
	v0 =	vadd.f32 v57, v55  }
0x171: {  	v1 =	vld [tilespmem:s18+$0xF020];
	[tilespmem:s18+$0x16010] =	vst v2;
	v2 =	vadd.f32 v4, v5  }
0x172: {  	v62 =	vld [tilespmem:s18+$0xF040];
	[tilespmem:s18+$0x15010] =	vst v0;
	v0 =	vadd.f32 v59, v55  }
0x173: {  	v4 =	vld [tilespmem:s18+$0xF030];
	[tilespmem:s18+$0x14020] =	vst v2;
	v2 =	vadd.f32 v7, v5  }
0x174: {  	v7 =	vld [tilespmem:s18+$0xC040];
	[tilespmem:s18+$0x17010] =	vst v0;
	v0 =	vadd.f32 v6, v5  }
0x175: {  	v6 =	vld [tilespmem:s18+$0x2040];
	[tilespmem:s18+$0x16020] =	vst v2;
	v2 =	vadd.f32 v8, v3  }
0x176: {  	v8 =	vadd.f32 v60, v3;
	[tilespmem:s18+$0x15020] =	vst v0;
	v0 =	vadd.f32 v1, v5;
	v1 =	vld [tilespmem:s18+$0xD040]  }
0x177: {  	v5 =	vld [tilespmem:s18+$0xE040];
	[tilespmem:s18+$0x14030] =	vst v2  }
0x178: {  	v2 =	vadd.f32 v61, v3;
	[tilespmem:s18+$0x15030] =	vst v8;
	v8 =	vld [tilespmem:s18+$0xC050]  }
0x179: {  	v3 =	vadd.f32 v4, v3;
	[tilespmem:s18+$0x17020] =	vst v0;
	v0 =	vld [tilespmem:s18+$0x2050]  }
0x17a: {  	v63 =	vld [tilespmem:s18+$0xD050];
	[tilespmem:s18+$0x16030] =	vst v2;
	v2 =	vadd.f32 v7, v6  }
0x17b: {  	v4 =	vld [tilespmem:s18+$0xE050];
	[tilespmem:s18+$0x17030] =	vst v3;
	v1 =	vadd.f32 v1, v6  }
0x17c: {  	[tilespmem:s18+$0x14040] =	vst v2;
	v3 =	vadd.f32 v5, v6;
	v2 =	vld [tilespmem:s18+$0xF050]  }
0x17d: {  	v5 =	vadd.f32 v62, v6;
	[tilespmem:s18+$0x15040] =	vst v1;
	v1 =	vld [tilespmem:s18+$0x2060]  }
0x17e: {  	s8 =	smov.u32 s20;
	s7 =	smov.u32 s0;
	[tilespmem:s18+$0x16040] =	vst v3;
	v3 =	vld [tilespmem:s18+$0xC060];
	v7 =	vadd.f32 v8, v0  }
0x17f: {  	s6 =	simm.s32 $0x200;
	s5 =	simm.s32 $0x10;
	s4 =	simm.s32 $0x0;
	[tilespmem:s18+$0x17040] =	vst v5;
	v6 =	vadd.f32 v63, v0;
	v5 =	vld [tilespmem:s18+$0xD060]  }
.LBB2_7:
0x180: {  	s1 =	sand.u32 $0xE00, s6;
	s2 =	sand.u32 $0x180, s5;
	s4 =	sadd.s32 $0x8, s4;
	[tilespmem:s18+$0x14050] =	vst v7;
	v4 =	vadd.f32 v4, v0;
	v7 =	vld [tilespmem:s18+$0xE060]  }
0x181: {  	s2 =	sor.u32 s2, s1;
	s1 =	sor.u32 s1, s5;
	p1 =	slt.u32 s4, $0xF8;
	[tilespmem:s18+$0x15050] =	vst v6;
	v0 =	vadd.f32 v2, v0;
	v2 =	vld [tilespmem:s18+$0xF060]  }
0x182: {  	s1 =	sor.u32 $0x2070, s1;
	v6 =	vld [tilespmem:s2+$0xE070];
	[tilespmem:s18+$0x16050] =	vst v4  }
0x183: {  	v4 =	vld [tilespmem:s1+$0x0];
	[tilespmem:s18+$0x17050] =	vst v0;
	v0 =	vadd.f32 v3, v1  }
0x184: {  	v3 =	vld [tilespmem:s2+$0x2000];
	v5 =	vadd.f32 v5, v1  }
0x185: {  	v8 =	vld [tilespmem:s2+$0xC000];
	[tilespmem:s18+$0x14060] =	vst v0;
	v0 =	vadd.f32 v7, v1  }
0x186: {  	v7 =	vld [tilespmem:s2+$0xD000];
	[tilespmem:s18+$0x15060] =	vst v5;
	v1 =	vadd.f32 v2, v1  }
0x187: {  	v2 =	vld [tilespmem:s2+$0xE000];
	[tilespmem:s18+$0x16060] =	vst v0  }
0x188: {  	v0 =	vld [tilespmem:s2+$0xF000];
	v5 =	vadd.f32 v6, v4;
	[tilespmem:s18+$0x17060] =	vst v1;
	s18 =	smov.u32 s2  }
0x189: {  	v1 =	vld [tilespmem:s18+$0xC070]  }
0x18a: {  	v6 =	vadd.f32 v8, v3;
	v8 =	vld [tilespmem:s18+$0xD070];
	[tilespmem:s1+$0x14000] =	vst v5  }
0x18b: {  	v5 =	vadd.f32 v7, v3;
	v7 =	vld [tilespmem:s18+$0xF070]  }
0x18c: {  	[tilespmem:s18+$0x14000] =	vst v6;
	v2 =	vadd.f32 v2, v3;
	v6 =	vld [tilespmem:s18+$0x2010]  }
0x18d: {  	[tilespmem:s18+$0x15000] =	vst v5;
	v0 =	vadd.f32 v0, v3;
	v3 =	vld [tilespmem:s18+$0xC010]  }
0x18e: {  	[tilespmem:s18+$0x16000] =	vst v2;
	v2 =	vld [tilespmem:s18+$0xD010];
	v1 =	vadd.f32 v1, v4  }
0x18f: {  	[tilespmem:s18+$0x17000] =	vst v0;
	v0 =	vld [tilespmem:s18+$0xE010];
	v5 =	vadd.f32 v8, v4  }
0x190: {  	v8 =	vld [tilespmem:s18+$0xF010];
	[tilespmem:s18+$0x14070] =	vst v1;
	v1 =	vadd.f32 v7, v4  }
0x191: {  	v4 =	vld [tilespmem:s18+$0x2020];
	[tilespmem:s18+$0x15070] =	vst v5  }
0x192: {  	v3 =	vadd.f32 v3, v6;
	v5 =	vld [tilespmem:s18+$0xC020];
	[tilespmem:s18+$0x17070] =	vst v1  }
0x193: {  	v1 =	vadd.f32 v2, v6;
	v2 =	vld [tilespmem:s18+$0xD020]  }
0x194: {  	[tilespmem:s18+$0x14010] =	vst v3;
	v0 =	vadd.f32 v0, v6;
	v3 =	vld [tilespmem:s18+$0xE020]  }
0x195: {  	[tilespmem:s18+$0x15010] =	vst v1;
	v1 =	vadd.f32 v8, v6;
	v6 =	vld [tilespmem:s18+$0xF020]  }
0x196: {  	[tilespmem:s18+$0x16010] =	vst v0;
	v0 =	vld [tilespmem:s18+$0x2030]  }
0x197: {  	[tilespmem:s18+$0x17010] =	vst v1;
	v1 =	vadd.f32 v5, v4;
	v5 =	vld [tilespmem:s18+$0xC030]  }
0x198: {  	v2 =	vadd.f32 v2, v4;
	v7 =	vld [tilespmem:s18+$0xD030]  }
0x199: {  	[tilespmem:s18+$0x14020] =	vst v1;
	v1 =	vadd.f32 v3, v4;
	v3 =	vld [tilespmem:s18+$0xE030]  }
0x19a: {  	[tilespmem:s18+$0x15020] =	vst v2;
	v2 =	vadd.f32 v6, v4;
	v4 =	vld [tilespmem:s18+$0xF030]  }
0x19b: {  	[tilespmem:s18+$0x16020] =	vst v1;
	v1 =	vld [tilespmem:s18+$0x2040]  }
0x19c: {  	[tilespmem:s18+$0x17020] =	vst v2;
	v2 =	vadd.f32 v5, v0;
	v5 =	vld [tilespmem:s18+$0xC040]  }
0x19d: {  	v6 =	vadd.f32 v7, v0;
	v7 =	vld [tilespmem:s18+$0xD040]  }
0x19e: {  	[tilespmem:s18+$0x14030] =	vst v2;
	v2 =	vadd.f32 v3, v0;
	v3 =	vld [tilespmem:s18+$0xE040]  }
0x19f: {  	[tilespmem:s18+$0x15030] =	vst v6;
	v4 =	vadd.f32 v4, v0;
	v6 =	vld [tilespmem:s18+$0xF040]  }
0x1a0: {  	[tilespmem:s18+$0x16030] =	vst v2;
	v0 =	vld [tilespmem:s18+$0x2050]  }
0x1a1: {  	[tilespmem:s18+$0x17030] =	vst v4;
	v2 =	vadd.f32 v5, v1;
	v5 =	vld [tilespmem:s18+$0xC050]  }
0x1a2: {  	v7 =	vadd.f32 v7, v1;
	v8 =	vld [tilespmem:s18+$0xD050]  }
.Ltmp2:
0x1a3: {  	[tilespmem:s18+$0x14040] =	vst v2;
	v3 =	vadd.f32 v3, v1;
	v4 =	vld [tilespmem:s18+$0xE050];
	(pc) =	sbr.rel @p1 .LBB2_7-.Ltmp2, $4  }
0x1a4: {  	[tilespmem:s18+$0x15040] =	vst v7;
	v6 =	vadd.f32 v6, v1;
	v2 =	vld [tilespmem:s18+$0xF050]  }
0x1a5: {  	[tilespmem:s18+$0x16040] =	vst v3;
	v1 =	vld [tilespmem:s18+$0x2060]  }
0x1a6: {  	[tilespmem:s18+$0x17040] =	vst v6;
	v7 =	vadd.f32 v5, v0;
	v3 =	vld [tilespmem:s18+$0xC060]  }
0x1a7: {  	s6 =	sadd.s32 $0x200, s6;
	s5 =	sadd.s32 $0x10, s5;
	v6 =	vadd.f32 v8, v0;
	v5 =	vld [tilespmem:s18+$0xD060]  }
0x1a8: {  	v8 =	vld [tilespmem:s18+$0xE060]  }
0x1a9: {  	[tilespmem:s18+$0x14050] =	vst v7;
	v4 =	vadd.f32 v4, v0;
	v7 =	vld [tilespmem:s18+$0xF060]  }
0x1aa: {  	[tilespmem:s18+$0x15050] =	vst v6;
	v0 =	vadd.f32 v2, v0  }
0x1ab: {  	[tilespmem:s18+$0x16050] =	vst v4;
	v2 =	vadd.f32 v3, v1  }
0x1ac: {  	[tilespmem:s18+$0x17050] =	vst v0;
	v0 =	vadd.f32 v5, v1  }
0x1ad: {  	[tilespmem:s18+$0x14060] =	vst v2;
	v2 =	vadd.f32 v8, v1  }
0x1ae: {  	[tilespmem:s18+$0x15060] =	vst v0;
	v0 =	vadd.f32 v7, v1  }
0x1af: {  	s0 =	rddreg [dreg:$0x2];
	[tilespmem:s18+$0x16060] =	vst v2  }
0x1b0: {  	s1 =	sadd.s32 s0, s16;
	[tilespmem:s18+$0x17060] =	vst v0;
	s18 =	simm.s32 $0x14000  }
0x1b1: {  	[hbm4b:s1+s23] =	stream.strided.scatter [tilespmem:s18], [sflag:$0x5], $0x1000, s24, s23, $0x38;
	[tilespmem:$0x1C000] =	vst v63  }
0x1b2: {  	s19 =	simm.s32 $0x15000;
	s2 =	sadd.s32 $0x100000, s1  }
0x1b3: {  	[hbm4b:s2+s23] =	stream.strided.scatter [tilespmem:s19], [sflag:$0x5], $0x1000, s24, s23, $0x38;
	[tilespmem:$0x1C000] =	vst v63  }
0x1b4: {  	s21 =	simm.s32 $0x16000;
	s20 =	sadd.s32 $0x200000, s1  }
0x1b5: {  	[hbm4b:s20+s23] =	stream.strided.scatter [tilespmem:s21], [sflag:$0x5], $0x1000, s24, s23, $0x38;
	[tilespmem:$0x1C000] =	vst v63  }
0x1b6: {  	s22 =	simm.s32 $0x17000;
	s1 =	sadd.s32 $0x300000, s1;
	s0 =	rddreg [dreg:$0xd]  }
0x1b7: {  	[hbm4b:s1+s23] =	stream.strided.scatter [tilespmem:s22], [sflag:$0x5], $0x1000, s24, s23, $0x38;
	[tilespmem:$0x1C000] =	vst v63  }
0x1b8: {  	s3 =	simm.s32 @!p0 $0x200;
	s1 =	sadd.s32 @!p0 s9, s0  }
0x1b9: {  	s4 =	simm.s32 @!p0 $0x400;
	s5 =	simm.s32 @!p0 $0x1000;
	s2 =	sadd.s32 @!p0 s8, s1  }
0x1ba: {  	[tilespmem:s5], [sflag:$0x2] =	stream.strided.gather @!p0 [hbm4b:s2+s3], $0x1000, s4, s3, $0x38;
	[tilespmem:$0x1C000] =	vst v63  }
0x1bb: {  	s1 =	sadd.s32 @!p0 s7, s1;
	s2 =	simm.s32 @!p0 $0x8000  }
0x1bc: {  	[tilespmem:s2], [sflag:$0x2] =	stream.strided.gather @!p0 [hbm4b:s1+s3], $0x1000, s4, s3, $0x38;
	[tilespmem:$0x1C000] =	vst v63  }
0x1bd: {  	s5 =	simm.s32 @!p0 $0x9000;
	s2 =	sadd.s32 @!p0 $0x100000, s1  }
0x1be: {  	[tilespmem:s5], [sflag:$0x2] =	stream.strided.gather @!p0 [hbm4b:s2+s3], $0x1000, s4, s3, $0x38;
	[tilespmem:$0x1C000] =	vst v63  }
0x1bf: {  	s2 =	sadd.s32 @!p0 $0x200000, s1;
	s5 =	simm.s32 @!p0 $0xA000  }
0x1c0: {  	[tilespmem:s5], [sflag:$0x2] =	stream.strided.gather @!p0 [hbm4b:s2+s3], $0x1000, s4, s3, $0x38;
	[tilespmem:$0x1C000] =	vst v63  }
0x1c1: {  	s25 =	simm.s32 $0x6;
	s1 =	sadd.s32 @!p0 $0x300000, s1;
	s2 =	simm.s32 @!p0 $0xB000  }
0x1c2: {  	[tilespmem:s2], [sflag:$0x2] =	stream.strided.gather @!p0 [hbm4b:s1+s3], $0x1000, s4, s3, $0x38;
	[tilespmem:$0x1C000] =	vst v63  }
0x1c3: {  	_ =	swait.ge [sflag:s25], $0x4000  }
0x1c4: {  	[sflag:s25] =	ssyncset.done $0x0  }
0x1c5: {  	[sflag:s25] =	ssyncadd.s32 $0xFFFFC000  }
0x1c6: {  	_ =	swait.ge [sflag:s30], $0x1000  }
0x1c7: {  	[sflag:s30] =	ssyncset.done $0x0  }
0x1c8: {  	[sflag:s30] =	ssyncadd.s32 $0xFFFFF000  }
0x1c9: {  	s26 =	simm.s32 $0x0;
	_ =	swait.ge [sflag:s30], $0x4000  }
0x1ca: {  	s29 =	sand.u32 $0xE00, s26;
	s1 =	sand.u32 $0x180, s26;
	[sflag:s30] =	ssyncset.done $0x0  }
0x1cb: {  	s9 =	sor.u32 s1, s29;
	[sflag:s30] =	ssyncadd.s32 $0xFFFFC000  }
0x1cc: {  	v0 =	vld [tilespmem:s9+$0x3070]  }
0x1cd: {  	v1 =	vld [tilespmem:s9+$0x13070]  }
0x1ce: {  	v2 =	vld [tilespmem:s9+$0x3000]  }
0x1cf: {  	v3 =	vld [tilespmem:s9+$0x10000]  }
0x1d0: {  	v4 =	vld [tilespmem:s9+$0x11000]  }
0x1d1: {  	v5 =	vld [tilespmem:s9+$0x12000]  }
0x1d2: {  	v6 =	vld [tilespmem:s9+$0x13000]  }
0x1d3: {  	v7 =	vld [tilespmem:s9+$0x3010]  }
0x1d4: {  	v8 =	vld [tilespmem:s9+$0x10010]  }
0x1d5: {  	v9 =	vld [tilespmem:s9+$0x11010]  }
0x1d6: {  	v10 =	vld [tilespmem:s9+$0x12010]  }
0x1d7: {  	v11 =	vld [tilespmem:s9+$0x13010]  }
0x1d8: {  	v12 =	vld [tilespmem:s9+$0x3020];
	v1 =	vadd.f32 v1, v0  }
0x1d9: {  	v13 =	vld [tilespmem:s9+$0x10020];
	v3 =	vadd.f32 v3, v2  }
0x1da: {  	v60 =	vld [tilespmem:s9+$0x11030];
	[tilespmem:s9+$0x1B070] =	vst v1;
	v1 =	vadd.f32 v4, v2  }
0x1db: {  	v61 =	vld [tilespmem:s9+$0x13030];
	[tilespmem:s9+$0x18000] =	vst v3;
	v3 =	vadd.f32 v5, v2  }
0x1dc: {  	v4 =	vld [tilespmem:s9+$0x11020];
	[tilespmem:s9+$0x19000] =	vst v1;
	v1 =	vadd.f32 v6, v2  }
0x1dd: {  	v5 =	vld [tilespmem:s9+$0x12020];
	[tilespmem:s9+$0x1A000] =	vst v3;
	v3 =	vadd.f32 v8, v7  }
0x1de: {  	v2 =	vld [tilespmem:s9+$0x13020];
	[tilespmem:s9+$0x1B000] =	vst v1;
	v1 =	vadd.f32 v9, v7  }
0x1df: {  	v6 =	vld [tilespmem:s9+$0x3030];
	[tilespmem:s9+$0x18010] =	vst v3;
	v3 =	vadd.f32 v10, v7  }
0x1e0: {  	v8 =	vld [tilespmem:s9+$0x10030];
	[tilespmem:s9+$0x19010] =	vst v1;
	v1 =	vadd.f32 v11, v7  }
0x1e1: {  	v62 =	vld [tilespmem:s9+$0x13040];
	[tilespmem:s9+$0x1A010] =	vst v3;
	v3 =	vadd.f32 v13, v12  }
0x1e2: {  	v7 =	vld [tilespmem:s9+$0x12030];
	[tilespmem:s9+$0x1B010] =	vst v1;
	v1 =	vadd.f32 v4, v12  }
0x1e3: {  	v4 =	vld [tilespmem:s9+$0x3040];
	[tilespmem:s9+$0x18020] =	vst v3;
	v3 =	vadd.f32 v5, v12  }
0x1e4: {  	v5 =	vld [tilespmem:s9+$0x10040];
	[tilespmem:s9+$0x19020] =	vst v1;
	v1 =	vadd.f32 v2, v12  }
0x1e5: {  	v2 =	vld [tilespmem:s9+$0x11040];
	[tilespmem:s9+$0x1A020] =	vst v3;
	v3 =	vadd.f32 v8, v6  }
0x1e6: {  	v8 =	vld [tilespmem:s9+$0x12040];
	[tilespmem:s9+$0x1B020] =	vst v1;
	v1 =	vadd.f32 v60, v6  }
0x1e7: {  	[tilespmem:s9+$0x18030] =	vst v3;
	v3 =	vadd.f32 v7, v6;
	v7 =	vld [tilespmem:s9+$0x3050]  }
0x1e8: {  	[tilespmem:s9+$0x19030] =	vst v1;
	v1 =	vadd.f32 v61, v6;
	v6 =	vld [tilespmem:s9+$0x10050]  }
0x1e9: {  	[tilespmem:s9+$0x1A030] =	vst v3;
	v3 =	vadd.f32 v5, v4;
	v5 =	vld [tilespmem:s9+$0x11050]  }
0x1ea: {  	[tilespmem:s9+$0x1B030] =	vst v1;
	v1 =	vadd.f32 v2, v4;
	v2 =	vld [tilespmem:s9+$0x12050]  }
0x1eb: {  	[tilespmem:s9+$0x18040] =	vst v3;
	v3 =	vadd.f32 v8, v4;
	v8 =	vld [tilespmem:s9+$0x13050]  }
0x1ec: {  	v4 =	vadd.f32 v62, v4;
	[tilespmem:s9+$0x19040] =	vst v1;
	v1 =	vld [tilespmem:s9+$0x3060]  }
0x1ed: {  	[tilespmem:s9+$0x1A040] =	vst v3;
	v3 =	vadd.f32 v6, v7;
	v6 =	vld [tilespmem:s9+$0x10060]  }
0x1ee: {  	[tilespmem:s9+$0x1B040] =	vst v4;
	v4 =	vadd.f32 v5, v7;
	v5 =	vld [tilespmem:s9+$0x11060]  }
0x1ef: {  	[tilespmem:s9+$0x18050] =	vst v3;
	v63 =	vadd.f32 v2, v7;
	v2 =	vld [tilespmem:s9+$0x12060]  }
0x1f0: {  	[tilespmem:s9+$0x19050] =	vst v4;
	v3 =	vld [tilespmem:s9+$0x13060];
	v7 =	vadd.f32 v8, v7  }
0x1f1: {  	s6 =	simm.s32 $0x200;
	s5 =	simm.s32 $0x10;
	s4 =	simm.s32 $0x0;
	v4 =	vld [tilespmem:s9+$0x10070];
	[tilespmem:s9+$0x1A050] =	vst v63  }
.LBB2_9:
0x1f2: {  	s1 =	sand.u32 $0xE00, s6;
	s2 =	sand.u32 $0x180, s5;
	[tilespmem:s9+$0x1B050] =	vst v7;
	v6 =	vadd.f32 v6, v1;
	v7 =	vld [tilespmem:s9+$0x11070]  }
0x1f3: {  	s4 =	sadd.s32 $0x8, s4;
	s1 =	sor.u32 s2, s1;
	v5 =	vadd.f32 v5, v1;
	v8 =	vld [tilespmem:s9+$0x12070]  }
0x1f4: {  	p0 =	slt.u32 s4, $0xF8;
	v9 =	vld [tilespmem:s1+$0x3070];
	[tilespmem:s9+$0x18060] =	vst v6;
	v2 =	vadd.f32 v2, v1  }
0x1f5: {  	v6 =	vld [tilespmem:s1+$0x13070];
	[tilespmem:s9+$0x19060] =	vst v5;
	v1 =	vadd.f32 v3, v1  }
0x1f6: {  	v3 =	vld [tilespmem:s1+$0x3000];
	[tilespmem:s9+$0x1A060] =	vst v2;
	v2 =	vadd.f32 v4, v0  }
0x1f7: {  	v4 =	vld [tilespmem:s1+$0x10000];
	[tilespmem:s9+$0x1B060] =	vst v1;
	v1 =	vadd.f32 v7, v0  }
0x1f8: {  	v5 =	vld [tilespmem:s1+$0x11000];
	[tilespmem:s9+$0x18070] =	vst v2;
	v2 =	vadd.f32 v8, v0  }
0x1f9: {  	v7 =	vld [tilespmem:s1+$0x12000];
	[tilespmem:s9+$0x19070] =	vst v1;
	v0 =	vmov v9  }
0x1fa: {  	v1 =	vld [tilespmem:s1+$0x13000];
	v6 =	vadd.f32 v6, v0;
	[tilespmem:s9+$0x1A070] =	vst v2;
	s9 =	smov.u32 s1  }
0x1fb: {  	v2 =	vld [tilespmem:s9+$0x3010]  }
0x1fc: {  	v4 =	vadd.f32 v4, v3;
	v8 =	vld [tilespmem:s9+$0x10010];
	[tilespmem:s9+$0x1B070] =	vst v6  }
0x1fd: {  	v5 =	vadd.f32 v5, v3;
	v6 =	vld [tilespmem:s9+$0x11010]  }
0x1fe: {  	[tilespmem:s9+$0x18000] =	vst v4;
	v4 =	vadd.f32 v7, v3;
	v7 =	vld [tilespmem:s9+$0x12010]  }
0x1ff: {  	[tilespmem:s9+$0x19000] =	vst v5;
	v1 =	vadd.f32 v1, v3;
	v3 =	vld [tilespmem:s9+$0x13010]  }
0x200: {  	[tilespmem:s9+$0x1A000] =	vst v4;
	v4 =	vld [tilespmem:s9+$0x3020]  }
0x201: {  	[tilespmem:s9+$0x1B000] =	vst v1;
	v1 =	vadd.f32 v8, v2;
	v5 =	vld [tilespmem:s9+$0x10020]  }
0x202: {  	v6 =	vadd.f32 v6, v2;
	v8 =	vld [tilespmem:s9+$0x11020]  }
0x203: {  	[tilespmem:s9+$0x18010] =	vst v1;
	v1 =	vadd.f32 v7, v2;
	v7 =	vld [tilespmem:s9+$0x12020]  }
0x204: {  	[tilespmem:s9+$0x19010] =	vst v6;
	v2 =	vadd.f32 v3, v2;
	v3 =	vld [tilespmem:s9+$0x13020]  }
0x205: {  	[tilespmem:s9+$0x1A010] =	vst v1;
	v1 =	vld [tilespmem:s9+$0x3030]  }
0x206: {  	[tilespmem:s9+$0x1B010] =	vst v2;
	v2 =	vadd.f32 v5, v4;
	v5 =	vld [tilespmem:s9+$0x10030]  }
0x207: {  	v6 =	vadd.f32 v8, v4;
	v8 =	vld [tilespmem:s9+$0x11030]  }
0x208: {  	[tilespmem:s9+$0x18020] =	vst v2;
	v2 =	vadd.f32 v7, v4;
	v7 =	vld [tilespmem:s9+$0x12030]  }
0x209: {  	[tilespmem:s9+$0x19020] =	vst v6;
	v3 =	vadd.f32 v3, v4;
	v4 =	vld [tilespmem:s9+$0x13030]  }
0x20a: {  	[tilespmem:s9+$0x1A020] =	vst v2;
	v2 =	vld [tilespmem:s9+$0x3040]  }
0x20b: {  	[tilespmem:s9+$0x1B020] =	vst v3;
	v3 =	vadd.f32 v5, v1;
	v5 =	vld [tilespmem:s9+$0x10040]  }
0x20c: {  	v6 =	vadd.f32 v8, v1;
	v8 =	vld [tilespmem:s9+$0x11040]  }
0x20d: {  	[tilespmem:s9+$0x18030] =	vst v3;
	v3 =	vadd.f32 v7, v1;
	v7 =	vld [tilespmem:s9+$0x12040]  }
0x20e: {  	[tilespmem:s9+$0x19030] =	vst v6;
	v1 =	vadd.f32 v4, v1;
	v4 =	vld [tilespmem:s9+$0x13040]  }
0x20f: {  	[tilespmem:s9+$0x1A030] =	vst v3;
	v3 =	vld [tilespmem:s9+$0x3050]  }
0x210: {  	[tilespmem:s9+$0x1B030] =	vst v1;
	v1 =	vadd.f32 v5, v2;
	v5 =	vld [tilespmem:s9+$0x10050]  }
0x211: {  	v6 =	vadd.f32 v8, v2;
	v8 =	vld [tilespmem:s9+$0x11050]  }
0x212: {  	[tilespmem:s9+$0x18040] =	vst v1;
	v1 =	vadd.f32 v7, v2;
	v7 =	vld [tilespmem:s9+$0x12050]  }
0x213: {  	[tilespmem:s9+$0x19040] =	vst v6;
	v2 =	vadd.f32 v4, v2;
	v4 =	vld [tilespmem:s9+$0x13050]  }
0x214: {  	[tilespmem:s9+$0x1A040] =	vst v1;
	v1 =	vld [tilespmem:s9+$0x3060]  }
.Ltmp3:
0x215: {  	[tilespmem:s9+$0x1B040] =	vst v2;
	v2 =	vadd.f32 v5, v3;
	v6 =	vld [tilespmem:s9+$0x10060];
	(pc) =	sbr.rel @p0 .LBB2_9-.Ltmp3, $4  }
0x216: {  	v8 =	vadd.f32 v8, v3;
	v5 =	vld [tilespmem:s9+$0x11060]  }
0x217: {  	[tilespmem:s9+$0x18050] =	vst v2;
	v9 =	vadd.f32 v7, v3;
	v2 =	vld [tilespmem:s9+$0x12060]  }
0x218: {  	[tilespmem:s9+$0x19050] =	vst v8;
	v7 =	vadd.f32 v4, v3;
	v3 =	vld [tilespmem:s9+$0x13060]  }
0x219: {  	s5 =	sadd.s32 $0x10, s5;
	s6 =	sadd.s32 $0x200, s6;
	[tilespmem:s9+$0x1A050] =	vst v9;
	v4 =	vld [tilespmem:s9+$0x10070]  }
0x21a: {  	v6 =	vadd.f32 v6, v1;
	v8 =	vld [tilespmem:s9+$0x11070]  }
0x21b: {  	[tilespmem:s9+$0x1B050] =	vst v7;
	v59 =	vld [tilespmem:s9+$0x12070];
	v5 =	vadd.f32 v5, v1  }
0x21c: {  	[tilespmem:s9+$0x18060] =	vst v6;
	v2 =	vadd.f32 v2, v1  }
0x21d: {  	[tilespmem:s9+$0x19060] =	vst v5;
	v60 =	vadd.f32 v3, v1  }
0x21e: {  	[tilespmem:s9+$0x1A060] =	vst v2;
	v61 =	vadd.f32 v4, v0  }
0x21f: {  	[tilespmem:s9+$0x1B060] =	vst v60;
	v62 =	vadd.f32 v8, v0  }
0x220: {  	v63 =	vadd.f32 v59, v0;
	[tilespmem:s9+$0x18070] =	vst v61  }
0x221: {  	s0 =	rddreg [dreg:$0x2];
	[tilespmem:s9+$0x19070] =	vst v62  }
0x222: {  	s31 =	sadd.s32 $0x1, s31;
	s1 =	sadd.s32 s0, s17;
	[tilespmem:s9+$0x1A070] =	vst v63  }
0x223: {  	[hbm4b:s1+s23] =	stream.strided.scatter [tilespmem:s10], [sflag:$0x6], $0x1000, s24, s23, $0x38;
	[tilespmem:$0x1C000] =	vst v63  }
0x224: {  	p0 =	sne.s32 s31, $0x10;
	s2 =	sadd.s32 $0x100000, s1  }
0x225: {  	[hbm4b:s2+s23] =	stream.strided.scatter [tilespmem:s11], [sflag:$0x6], $0x1000, s24, s23, $0x38;
	[tilespmem:$0x1C000] =	vst v63  }
.Ltmp4:
0x226: {  	_ = 	snop;
	(pc) =	sbr.rel @p0 .LBB2_2-.Ltmp4, $4  }
0x227: {  	s29 =	sadd.s32 $0x200000, s1  }
0x228: {  	[hbm4b:s29+s23] =	stream.strided.scatter [tilespmem:s12], [sflag:$0x6], $0x1000, s24, s23, $0x38;
	[tilespmem:$0x1C000] =	vst v63  }
0x229: {  	s1 =	sadd.s32 $0x300000, s1  }
0x22a: {  	[hbm4b:s1+s23] =	stream.strided.scatter [tilespmem:s13], [sflag:$0x6], $0x1000, s24, s23, $0x38;
	[tilespmem:$0x1C000] =	vst v63  }
0x22b: {  	s0 =	simm.s32 $0x5  }
0x22c: {  	_ =	swait.ge [sflag:s0], $0x4000  }
0x22d: {  	[sflag:s0] =	ssyncset.done $0x0  }
0x22e: {  	s1 =	simm.s32 $0x6;
	[sflag:s0] =	ssyncadd.s32 $0xFFFFC000  }
0x22f: {  	_ =	swait.ge [sflag:s1], $0x4000  }
0x230: {  	s2 =	rddreg [dreg:$0x15]  }
0x231: {  	s31 =	rddreg [dreg:$0xe];
	s2 =	sadd.s32 $0x1, s2  }
0x232: {  	p0 =	sne.s32 s2, s31  }
.Ltmp5:
0x233: {  	_ = 	snop;
	(pc) =	sbr.rel @p0 .LBB2_1-.Ltmp5, $3  }
0x234: {  	_ =	sdelay $0x1  }
0x235: {  	[sflag:s1] =	ssyncset.done $0x0  }
0x236: {  	[sflag:s1] =	ssyncadd.s32 $0xFFFFC000  }
0x237: {  	_ =	sfence.sel $0x180000  }
0x238: {  	[bflag:$0x0] =	sbarrier.arrive $0xFFFF  }
0x239: {  	_ =	strace $0x90000047  }
0x23a: {  	s0 =	stileid.u32;
	[bflag:$0x2] =	sbarrier.arrive $0xFFFF  }
0x23b: {  	p0 =	sne.s32 s0, $0x0;
	s0 =	rddreg [dreg:$0x3]  }
0x23c: {  	s0 =	sadd.s32 @!p0 $0x100000, s0  }
0x23d: {  	[sflag:s0] =	ssyncadd.tile.s32 @!p0 $0x1;
	_ =	shalt  }
.Lfunc_end2:
_tile_overlayer_lowered:
.L_overlay_start_2:
0x23e: {  	(tag) =	ssettag $0x2  }
0x23f: {  	s0 =	rddreg [dreg:$0x0];
	s2 =	stileid.u32  }
0x240: {  	s1 =	rddreg [dreg:$0x1];
	p0 =	sne.s32 s2, $0x0  }
0x241: {  	s3 =	rddreg [dreg:$0x2];
	[bflag:$0x3] =	sbarrier.arrive $0xFFFF;
	s2 =	simm.s32 @!p0 $0x1C07  }
0x242: {  	[timem:s3], [sflag:s2] =	dma.local @!p0 [hbm:s0], s1  }
0x243: {  	s0 =	simm.s32 @!p0 $0x7  }
0x244: {  	_ =	swait.ge @!p0 [sflag:s0], s1  }
0x245: {  	s1 =	ssub.s32 @!p0 $0x0, s1;
	[sflag:s0] =	ssyncset.done @!p0 $0x0  }
0x246: {  	[sflag:s0] =	ssyncadd.s32 @!p0 s1  }
0x247: {  	[bflag:$0x3] =	sbarrier.arrive $0xFFFF  }
0x248: {  	_ =	shalt  }

</sc_bundles>
